<compile_context>
chip_gen: v7x
topology: tpu7x:2x2x1
jax: 0.10.2.dev20260603
libtpu: 0.0.44.dev20260713+nightly
codegen_flags: <defaults>
</compile_context>

<pallas_src>
import functools

import jax
import jax.numpy as jnp
from jax import lax
from jax.experimental import pallas as pl
from jax.experimental.pallas import tpu as pltpu
from jax.experimental.pallas import tpu_sc as plsc

N = 10000
E = 320000
D = 128
NPAD = 10240
NC = 2
NS = 16
NW = NC * NS
EPW = E // NW
CH = 80
NCH = EPW // CH
RB = 1024
GRID = NPAD // RB
RPT = NPAD // NS

_SC_MESH = plsc.VectorSubcoreMesh(
    core_axis_name="c", subcore_axis_name="s", num_cores=NC, num_subcores=NS)


@functools.partial(
    pl.kernel,
    out_type=jax.ShapeDtypeStruct((NC, NPAD, 16), jnp.float32),
    mesh=_SC_MESH,
    scratch_types=[
        pltpu.VMEM((NCH, CH), jnp.int32),
        pltpu.VMEM((CH, 16), jnp.float32),
        pltpu.VMEM((16, 16), jnp.float32),
        pltpu.VMEM_SHARED((NPAD, 16), jnp.float32),
    ],
)
def _deg_kernel(dst_hbm, pdeg_hbm, dst_v, ones_v, zb_v, acc_sh):
    c = lax.axis_index("c")
    s = lax.axis_index("s")
    wid = s * NC + c
    zero16 = jnp.zeros((16,), jnp.float32)
    ones16 = jnp.ones((16,), jnp.float32)

    for i in range(CH):
        ones_v[i, :] = ones16

    for i in range(16):
        zb_v[i, :] = zero16

    def zacc(i, carry):
        pltpu.sync_copy(zb_v, acc_sh.at[pl.ds(s * RPT + i * 16, 16)])
        return carry

    lax.fori_loop(0, RPT // 16, zacc, 0)
    plsc.subcore_barrier()

    pltpu.sync_copy(dst_hbm.at[wid], dst_v)

    def body(j, carry):
        pltpu.sync_copy(ones_v, acc_sh.at[dst_v.at[j]], add=True)
        return carry

    lax.fori_loop(0, NCH, body, 0)
    plsc.subcore_barrier()

    pltpu.sync_copy(acc_sh.at[pl.ds(s * RPT, RPT)],
                    pdeg_hbm.at[c, pl.ds(s * RPT, RPT)])


@functools.partial(
    pl.kernel,
    out_type=jax.ShapeDtypeStruct((NC, NPAD, D), jnp.float32),
    mesh=_SC_MESH,
    scratch_types=[
        pltpu.VMEM((NCH, CH), jnp.int32),
        pltpu.VMEM((NCH, CH), jnp.int32),
        pltpu.VMEM((CH, D), jnp.float32),
        pltpu.VMEM((16, D), jnp.float32),
        pltpu.VMEM_SHARED((NPAD, D), jnp.float32),
    ],
)
def _agg_kernel(y_hbm, src_hbm, dst_hbm, out_hbm, src_v, dst_v, rows_v, zb_v,
                acc_sh):
    c = lax.axis_index("c")
    s = lax.axis_index("s")
    wid = s * NC + c
    zero16 = jnp.zeros((16,), jnp.float32)

    def zb(i, carry):
        for k in range(D // 16):
            zb_v[i, pl.ds(k * 16, 16)] = zero16
        return carry

    lax.fori_loop(0, 16, zb, 0)

    def zacc(i, carry):
        pltpu.sync_copy(zb_v, acc_sh.at[pl.ds(s * RPT + i * 16, 16)])
        return carry

    lax.fori_loop(0, RPT // 16, zacc, 0)
    plsc.subcore_barrier()

    pltpu.sync_copy(src_hbm.at[wid], src_v)
    pltpu.sync_copy(dst_hbm.at[wid], dst_v)

    def body(j, carry):
        pltpu.sync_copy(y_hbm.at[src_v.at[j]], rows_v)
        pltpu.sync_copy(rows_v, acc_sh.at[dst_v.at[j]], add=True)
        return carry

    lax.fori_loop(0, NCH, body, 0)
    plsc.subcore_barrier()

    pltpu.sync_copy(acc_sh.at[pl.ds(s * RPT, RPT)],
                    out_hbm.at[c, pl.ds(s * RPT, RPT)])


def _col(row):
    return jnp.transpose(row)


def _dis_col(pdeg_blk):
    deg = jnp.sum(pdeg_blk, axis=0, keepdims=True) + 1.0
    return _col(lax.rsqrt(deg))


def _tc1_body(x_ref, w_ref, pdeg_ref, y_ref):
    dcol = _dis_col(pdeg_ref[...])
    xw = jnp.dot(x_ref[...], w_ref[...], preferred_element_type=jnp.float32)
    y_ref[...] = dcol * xw


_tc1 = pl.pallas_call(
    _tc1_body,
    grid=(GRID,),
    in_specs=[
        pl.BlockSpec((RB, D), lambda i: (i, 0)),
        pl.BlockSpec((D, D), lambda i: (0, 0)),
        pl.BlockSpec((NC, RB), lambda i: (0, i)),
    ],
    out_specs=pl.BlockSpec((RB, D), lambda i: (i, 0)),
    out_shape=jax.ShapeDtypeStruct((NPAD, D), jnp.float32),
)


def _tc2_body(pdeg_ref, p_ref, y1_ref, w_ref, b_ref, y2_ref):
    dcol = _dis_col(pdeg_ref[...])
    z = p_ref[0] + p_ref[1] + y1_ref[...]
    h = jnp.maximum(dcol * z + b_ref[...], 0.0)
    y2_ref[...] = dcol * jnp.dot(h, w_ref[...],
                                 preferred_element_type=jnp.float32)


_tc2 = pl.pallas_call(
    _tc2_body,
    grid=(GRID,),
    in_specs=[
        pl.BlockSpec((NC, RB), lambda i: (0, i)),
        pl.BlockSpec((NC, RB, D), lambda i: (0, i, 0)),
        pl.BlockSpec((RB, D), lambda i: (i, 0)),
        pl.BlockSpec((D, D), lambda i: (0, 0)),
        pl.BlockSpec((1, D), lambda i: (0, 0)),
    ],
    out_specs=pl.BlockSpec((RB, D), lambda i: (i, 0)),
    out_shape=jax.ShapeDtypeStruct((NPAD, D), jnp.float32),
)


def _tc3_body(pdeg_ref, p_ref, y2_ref, b_ref, out_ref):
    dcol = _dis_col(pdeg_ref[...])
    z = p_ref[0] + p_ref[1] + y2_ref[...]
    out_ref[...] = dcol * z + b_ref[...]


_tc3 = pl.pallas_call(
    _tc3_body,
    grid=(GRID,),
    in_specs=[
        pl.BlockSpec((NC, RB), lambda i: (0, i)),
        pl.BlockSpec((NC, RB, D), lambda i: (0, i, 0)),
        pl.BlockSpec((RB, D), lambda i: (i, 0)),
        pl.BlockSpec((1, D), lambda i: (0, 0)),
    ],
    out_specs=pl.BlockSpec((RB, D), lambda i: (i, 0)),
    out_shape=jax.ShapeDtypeStruct((NPAD, D), jnp.float32),
)


def kernel(X, edge_index, W1, b1, W2, b2):
    src = edge_index[0].astype(jnp.int32)
    dst = edge_index[1].astype(jnp.int32)
    src3 = src.reshape(NW, NCH, CH)
    dst3 = dst.reshape(NW, NCH, CH)
    Xp = jnp.pad(X, ((0, NPAD - N), (0, 0)))

    pdeg = _deg_kernel(dst3)[:, :, 0]
    y1 = _tc1(Xp, W1, pdeg)
    p1 = _agg_kernel(y1, src3, dst3)
    y2 = _tc2(pdeg, p1, y1, W2, b1.reshape(1, D))
    p2 = _agg_kernel(y2, src3, dst3)
    outp = _tc3(pdeg, p2, y2, b2.reshape(1, D))
    return outp[:N]

# --- scband reference (transcript-rebuilt; emitter-appended) ---
"""Pipeline reference for scband-gcnencoder-34333968564540 (READ-ONLY COPY).

The authoritative reference and input builder live on the scoring server;
editing this copy changes nothing except your own understanding.
"""

import jax, jax.numpy as jnp
import numpy as np

N_NODES = 10000
N_EDGES = 320000
D_IN = 128
D_HID = 128
D_OUT = 128


def setup_inputs(seed: int = 0) -> dict:
    key = jax.random.key(seed)
    k1, k2, k3, k4, k5, k6 = jax.random.split(key, 6)
    X = jax.random.normal(k1, (N_NODES, D_IN), dtype=jnp.float32)
    edge_index = jax.random.randint(k2, (2, N_EDGES), 0, N_NODES, dtype=jnp.int64)
    # Glorot-style init for GCN weights, zeros for bias (PyG default)
    s1 = (6.0 / (D_IN + D_HID)) ** 0.5
    W1 = jax.random.uniform(k3, (D_IN, D_HID), dtype=jnp.float32, minval=-s1, maxval=s1)
    b1 = jnp.zeros((D_HID,), dtype=jnp.float32)
    s2 = (6.0 / (D_HID + D_OUT)) ** 0.5
    W2 = jax.random.uniform(k4, (D_HID, D_OUT), dtype=jnp.float32, minval=-s2, maxval=s2)
    b2 = jnp.zeros((D_OUT,), dtype=jnp.float32)
    return {"X": X, "edge_index": edge_index, "W1": W1, "b1": b1, "W2": W2, "b2": b2}


def _gcn_conv(x, src, dst, W, b, num_nodes):
    # x' = D^{-1/2} (A + I) D^{-1/2} X W + b   (PyG GCNConv with add_self_loops=True)
    loop = jnp.arange(num_nodes, dtype=src.dtype)
    s = jnp.concatenate([src, loop])
    d = jnp.concatenate([dst, loop])
    deg = jnp.zeros((num_nodes,), dtype=x.dtype).at[d].add(1.0)
    deg_inv_sqrt = jnp.where(deg > 0, jax.lax.rsqrt(jnp.maximum(deg, 1e-12)), 0.0)
    norm = deg_inv_sqrt[s] * deg_inv_sqrt[d]
    xw = x @ W
    msgs = xw[s] * norm[:, None]
    out = jnp.zeros((num_nodes, W.shape[1]), dtype=x.dtype).at[d].add(msgs)
    return out + b


def reference(X, edge_index, W1, b1, W2, b2):
    src, dst = edge_index[0], edge_index[1]
    n = X.shape[0]
    h = _gcn_conv(X, src, dst, W1, b1, n)
    h = jax.nn.relu(h)
    # dropout is identity in eval mode
    h = _gcn_conv(h, src, dst, W2, b2, n)
    return h

if __name__ == "__main__":
    import jax
    _d = setup_inputs()
    print(jax.jit(kernel)(*tuple(_d.values())))

</pallas_src>

<mosaic_0001>
#map = affine_map<(d0, d1) -> (0, 0, 0)>
module attributes {stable_mosaic.version = 14 : i64} {
  func.func @_deg_kernel(%arg0: i32, %arg1: i32, %arg2: memref<32x125x80xi32, #tpu.memory_space<hbm>>, %arg3: memref<2x10240x16xf32, #tpu.memory_space<hbm>>, %arg4: memref<125x80xi32, #tpu.memory_space<vmem>>, %arg5: memref<80x16xf32, #tpu.memory_space<vmem>>, %arg6: memref<16x16xf32, #tpu.memory_space<vmem>>, %arg7: memref<10240x16xf32, #tpu.memory_space<vmem_shared>>) attributes {dimension_semantics = [#tpu.dimension_semantics<core_parallel>, #tpu.dimension_semantics<subcore_parallel>], iteration_bounds = array<i64: 2, 16>, scalar_prefetch = 0 : i64, scratch_operands = 4 : i64, tpu.core_type = #tpu.core_type<sc_vector_subcore>, window_params = [{transform_indices = #map}, {transform_indices = #map}]} {
    %mul3A = arith.constant 2 : i32
    %mul3A_0 = arith.muli %arg1, %mul3A : i32
    %add3A = arith.addi %mul3A_0, %arg0 : i32
    %broadcast_in_dim3A = arith.constant 0.000000e+00 : f32
    %broadcast_in_dim3A_1 = vector.broadcast %broadcast_in_dim3A : f32 to vector<16xf32>
    %broadcast_in_dim3A_2 = arith.constant 1.000000e+00 : f32
    %broadcast_in_dim3A_3 = vector.broadcast %broadcast_in_dim3A_2 : f32 to vector<16xf32>
    %swap3A = arith.constant 0 : i32
    %swap3A_4 = arith.index_cast %swap3A : i32 to index
    %swap3A_5 = arith.constant 0 : index
    %swap3A_6 = tpu.vector_load %arg5[%swap3A_4, %swap3A_5] {strides = array<i32>} : memref<80x16xf32, #tpu.memory_space<vmem>>, vector<1x16xf32>,
    %swap3A_7 = vector.shape_cast %swap3A_6 : vector<1x16xf32> to vector<16xf32>
    %swap3A_8 = vector.shape_cast %broadcast_in_dim3A_3 : vector<16xf32> to vector<1x16xf32>
    tpu.vector_store %arg5[%swap3A_4, %swap3A_5], %swap3A_8 {strides = array<i32>} : memref<80x16xf32, #tpu.memory_space<vmem>>, vector<1x16xf32>,
    %swap3A_9 = arith.constant 1 : i32
    %swap3A_10 = arith.index_cast %swap3A_9 : i32 to index
    %swap3A_11 = arith.constant 0 : index
    %swap3A_12 = tpu.vector_load %arg5[%swap3A_10, %swap3A_11] {strides = array<i32>} : memref<80x16xf32, #tpu.memory_space<vmem>>, vector<1x16xf32>,
    %swap3A_13 = vector.shape_cast %swap3A_12 : vector<1x16xf32> to vector<16xf32>
    %swap3A_14 = vector.shape_cast %broadcast_in_dim3A_3 : vector<16xf32> to vector<1x16xf32>
    tpu.vector_store %arg5[%swap3A_10, %swap3A_11], %swap3A_14 {strides = array<i32>} : memref<80x16xf32, #tpu.memory_space<vmem>>, vector<1x16xf32>,
    %swap3A_15 = arith.constant 2 : i32
    %swap3A_16 = arith.index_cast %swap3A_15 : i32 to index
    %swap3A_17 = arith.constant 0 : index
    %swap3A_18 = tpu.vector_load %arg5[%swap3A_16, %swap3A_17] {strides = array<i32>} : memref<80x16xf32, #tpu.memory_space<vmem>>, vector<1x16xf32>,
    %swap3A_19 = vector.shape_cast %swap3A_18 : vector<1x16xf32> to vector<16xf32>
    %swap3A_20 = vector.shape_cast %broadcast_in_dim3A_3 : vector<16xf32> to vector<1x16xf32>
    tpu.vector_store %arg5[%swap3A_16, %swap3A_17], %swap3A_20 {strides = array<i32>} : memref<80x16xf32, #tpu.memory_space<vmem>>, vector<1x16xf32>,
    %swap3A_21 = arith.constant 3 : i32
    %swap3A_22 = arith.index_cast %swap3A_21 : i32 to index
    %swap3A_23 = arith.constant 0 : index
    %swap3A_24 = tpu.vector_load %arg5[%swap3A_22, %swap3A_23] {strides = array<i32>} : memref<80x16xf32, #tpu.memory_space<vmem>>, vector<1x16xf32>,
    %swap3A_25 = vector.shape_cast %swap3A_24 : vector<1x16xf32> to vector<16xf32>
    %swap3A_26 = vector.shape_cast %broadcast_in_dim3A_3 : vector<16xf32> to vector<1x16xf32>
    tpu.vector_store %arg5[%swap3A_22, %swap3A_23], %swap3A_26 {strides = array<i32>} : memref<80x16xf32, #tpu.memory_space<vmem>>, vector<1x16xf32>,
    %swap3A_27 = arith.constant 4 : i32
    %swap3A_28 = arith.index_cast %swap3A_27 : i32 to index
    %swap3A_29 = arith.constant 0 : index
    %swap3A_30 = tpu.vector_load %arg5[%swap3A_28, %swap3A_29] {strides = array<i32>} : memref<80x16xf32, #tpu.memory_space<vmem>>, vector<1x16xf32>,
    %swap3A_31 = vector.shape_cast %swap3A_30 : vector<1x16xf32> to vector<16xf32>
    %swap3A_32 = vector.shape_cast %broadcast_in_dim3A_3 : vector<16xf32> to vector<1x16xf32>
    tpu.vector_store %arg5[%swap3A_28, %swap3A_29], %swap3A_32 {strides = array<i32>} : memref<80x16xf32, #tpu.memory_space<vmem>>, vector<1x16xf32>,
    %swap3A_33 = arith.constant 5 : i32
    %swap3A_34 = arith.index_cast %swap3A_33 : i32 to index
    %swap3A_35 = arith.constant 0 : index
    %swap3A_36 = tpu.vector_load %arg5[%swap3A_34, %swap3A_35] {strides = array<i32>} : memref<80x16xf32, #tpu.memory_space<vmem>>, vector<1x16xf32>,
    %swap3A_37 = vector.shape_cast %swap3A_36 : vector<1x16xf32> to vector<16xf32>
    %swap3A_38 = vector.shape_cast %broadcast_in_dim3A_3 : vector<16xf32> to vector<1x16xf32>
    tpu.vector_store %arg5[%swap3A_34, %swap3A_35], %swap3A_38 {strides = array<i32>} : memref<80x16xf32, #tpu.memory_space<vmem>>, vector<1x16xf32>,
    %swap3A_39 = arith.constant 6 : i32
    %swap3A_40 = arith.index_cast %swap3A_39 : i32 to index
    %swap3A_41 = arith.constant 0 : index
    %swap3A_42 = tpu.vector_load %arg5[%swap3A_40, %swap3A_41] {strides = array<i32>} : memref<80x16xf32, #tpu.memory_space<vmem>>, vector<1x16xf32>,
    %swap3A_43 = vector.shape_cast %swap3A_42 : vector<1x16xf32> to vector<16xf32>
    %swap3A_44 = vector.shape_cast %broadcast_in_dim3A_3 : vector<16xf32> to vector<1x16xf32>
    tpu.vector_store %arg5[%swap3A_40, %swap3A_41], %swap3A_44 {strides = array<i32>} : memref<80x16xf32, #tpu.memory_space<vmem>>, vector<1x16xf32>,
    %swap3A_45 = arith.constant 7 : i32
    %swap3A_46 = arith.index_cast %swap3A_45 : i32 to index
    %swap3A_47 = arith.constant 0 : index
    %swap3A_48 = tpu.vector_load %arg5[%swap3A_46, %swap3A_47] {strides = array<i32>} : memref<80x16xf32, #tpu.memory_space<vmem>>, vector<1x16xf32>,
    %swap3A_49 = vector.shape_cast %swap3A_48 : vector<1x16xf32> to vector<16xf32>
    %swap3A_50 = vector.shape_cast %broadcast_in_dim3A_3 : vector<16xf32> to vector<1x16xf32>
    tpu.vector_store %arg5[%swap3A_46, %swap3A_47], %swap3A_50 {strides = array<i32>} : memref<80x16xf32, #tpu.memory_space<vmem>>, vector<1x16xf32>,
    %swap3A_51 = arith.constant 8 : i32
    %swap3A_52 = arith.index_cast %swap3A_51 : i32 to index
    %swap3A_53 = arith.constant 0 : index
    %swap3A_54 = tpu.vector_load %arg5[%swap3A_52, %swap3A_53] {strides = array<i32>} : memref<80x16xf32, #tpu.memory_space<vmem>>, vector<1x16xf32>,
    %swap3A_55 = vector.shape_cast %swap3A_54 : vector<1x16xf32> to vector<16xf32>
    %swap3A_56 = vector.shape_cast %broadcast_in_dim3A_3 : vector<16xf32> to vector<1x16xf32>
    tpu.vector_store %arg5[%swap3A_52, %swap3A_53], %swap3A_56 {strides = array<i32>} : memref<80x16xf32, #tpu.memory_space<vmem>>, vector<1x16xf32>,
    %swap3A_57 = arith.constant 9 : i32
    %swap3A_58 = arith.index_cast %swap3A_57 : i32 to index
    %swap3A_59 = arith.constant 0 : index
    %swap3A_60 = tpu.vector_load %arg5[%swap3A_58, %swap3A_59] {strides = array<i32>} : memref<80x16xf32, #tpu.memory_space<vmem>>, vector<1x16xf32>,
    %swap3A_61 = vector.shape_cast %swap3A_60 : vector<1x16xf32> to vector<16xf32>
    %swap3A_62 = vector.shape_cast %broadcast_in_dim3A_3 : vector<16xf32> to vector<1x16xf32>
    tpu.vector_store %arg5[%swap3A_58, %swap3A_59], %swap3A_62 {strides = array<i32>} : memref<80x16xf32, #tpu.memory_space<vmem>>, vector<1x16xf32>,
    %swap3A_63 = arith.constant 10 : i32
    %swap3A_64 = arith.index_cast %swap3A_63 : i32 to index
    %swap3A_65 = arith.constant 0 : index
    %swap3A_66 = tpu.vector_load %arg5[%swap3A_64, %swap3A_65] {strides = array<i32>} : memref<80x16xf32, #tpu.memory_space<vmem>>, vector<1x16xf32>,
    %swap3A_67 = vector.shape_cast %swap3A_66 : vector<1x16xf32> to vector<16xf32>
    %swap3A_68 = vector.shape_cast %broadcast_in_dim3A_3 : vector<16xf32> to vector<1x16xf32>
    tpu.vector_store %arg5[%swap3A_64, %swap3A_65], %swap3A_68 {strides = array<i32>} : memref<80x16xf32, #tpu.memory_space<vmem>>, vector<1x16xf32>,
    %swap3A_69 = arith.constant 11 : i32
    %swap3A_70 = arith.index_cast %swap3A_69 : i32 to index
    %swap3A_71 = arith.constant 0 : index
    %swap3A_72 = tpu.vector_load %arg5[%swap3A_70, %swap3A_71] {strides = array<i32>} : memref<80x16xf32, #tpu.memory_space<vmem>>, vector<1x16xf32>,
    %swap3A_73 = vector.shape_cast %swap3A_72 : vector<1x16xf32> to vector<16xf32>
    %swap3A_74 = vector.shape_cast %broadcast_in_dim3A_3 : vector<16xf32> to vector<1x16xf32>
    tpu.vector_store %arg5[%swap3A_70, %swap3A_71], %swap3A_74 {strides = array<i32>} : memref<80x16xf32, #tpu.memory_space<vmem>>, vector<1x16xf32>,
    %swap3A_75 = arith.constant 12 : i32
    %swap3A_76 = arith.index_cast %swap3A_75 : i32 to index
    %swap3A_77 = arith.constant 0 : index
    %swap3A_78 = tpu.vector_load %arg5[%swap3A_76, %swap3A_77] {strides = array<i32>} : memref<80x16xf32, #tpu.memory_space<vmem>>, vector<1x16xf32>,
    %swap3A_79 = vector.shape_cast %swap3A_78 : vector<1x16xf32> to vector<16xf32>
    %swap3A_80 = vector.shape_cast %broadcast_in_dim3A_3 : vector<16xf32> to vector<1x16xf32>
    tpu.vector_store %arg5[%swap3A_76, %swap3A_77], %swap3A_80 {strides = array<i32>} : memref<80x16xf32, #tpu.memory_space<vmem>>, vector<1x16xf32>,
    %swap3A_81 = arith.constant 13 : i32
    %swap3A_82 = arith.index_cast %swap3A_81 : i32 to index
    %swap3A_83 = arith.constant 0 : index
    %swap3A_84 = tpu.vector_load %arg5[%swap3A_82, %swap3A_83] {strides = array<i32>} : memref<80x16xf32, #tpu.memory_space<vmem>>, vector<1x16xf32>,
    %swap3A_85 = vector.shape_cast %swap3A_84 : vector<1x16xf32> to vector<16xf32>
    %swap3A_86 = vector.shape_cast %broadcast_in_dim3A_3 : vector<16xf32> to vector<1x16xf32>
    tpu.vector_store %arg5[%swap3A_82, %swap3A_83], %swap3A_86 {strides = array<i32>} : memref<80x16xf32, #tpu.memory_space<vmem>>, vector<1x16xf32>,
    %swap3A_87 = arith.constant 14 : i32
    %swap3A_88 = arith.index_cast %swap3A_87 : i32 to index
    %swap3A_89 = arith.constant 0 : index
    %swap3A_90 = tpu.vector_load %arg5[%swap3A_88, %swap3A_89] {strides = array<i32>} : memref<80x16xf32, #tpu.memory_space<vmem>>, vector<1x16xf32>,
    %swap3A_91 = vector.shape_cast %swap3A_90 : vector<1x16xf32> to vector<16xf32>
    %swap3A_92 = vector.shape_cast %broadcast_in_dim3A_3 : vector<16xf32> to vector<1x16xf32>
    tpu.vector_store %arg5[%swap3A_88, %swap3A_89], %swap3A_92 {strides = array<i32>} : memref<80x16xf32, #tpu.memory_space<vmem>>, vector<1x16xf32>,
    %swap3A_93 = arith.constant 15 : i32
    %swap3A_94 = arith.index_cast %swap3A_93 : i32 to index
    %swap3A_95 = arith.constant 0 : index
    %swap3A_96 = tpu.vector_load %arg5[%swap3A_94, %swap3A_95] {strides = array<i32>} : memref<80x16xf32, #tpu.memory_space<vmem>>, vector<1x16xf32>,
    %swap3A_97 = vector.shape_cast %swap3A_96 : vector<1x16xf32> to vector<16xf32>
    %swap3A_98 = vector.shape_cast %broadcast_in_dim3A_3 : vector<16xf32> to vector<1x16xf32>
    tpu.vector_store %arg5[%swap3A_94, %swap3A_95], %swap3A_98 {strides = array<i32>} : memref<80x16xf32, #tpu.memory_space<vmem>>, vector<1x16xf32>,
    %swap3A_99 = arith.constant 16 : i32
    %swap3A_100 = arith.index_cast %swap3A_99 : i32 to index
    %swap3A_101 = arith.constant 0 : index
    %swap3A_102 = tpu.vector_load %arg5[%swap3A_100, %swap3A_101] {strides = array<i32>} : memref<80x16xf32, #tpu.memory_space<vmem>>, vector<1x16xf32>,
    %swap3A_103 = vector.shape_cast %swap3A_102 : vector<1x16xf32> to vector<16xf32>
    %swap3A_104 = vector.shape_cast %broadcast_in_dim3A_3 : vector<16xf32> to vector<1x16xf32>
    tpu.vector_store %arg5[%swap3A_100, %swap3A_101], %swap3A_104 {strides = array<i32>} : memref<80x16xf32, #tpu.memory_space<vmem>>, vector<1x16xf32>,
    %swap3A_105 = arith.constant 17 : i32
    %swap3A_106 = arith.index_cast %swap3A_105 : i32 to index
    %swap3A_107 = arith.constant 0 : index
    %swap3A_108 = tpu.vector_load %arg5[%swap3A_106, %swap3A_107] {strides = array<i32>} : memref<80x16xf32, #tpu.memory_space<vmem>>, vector<1x16xf32>,
    %swap3A_109 = vector.shape_cast %swap3A_108 : vector<1x16xf32> to vector<16xf32>
    %swap3A_110 = vector.shape_cast %broadcast_in_dim3A_3 : vector<16xf32> to vector<1x16xf32>
    tpu.vector_store %arg5[%swap3A_106, %swap3A_107], %swap3A_110 {strides = array<i32>} : memref<80x16xf32, #tpu.memory_space<vmem>>, vector<1x16xf32>,
    %swap3A_111 = arith.constant 18 : i32
    %swap3A_112 = arith.index_cast %swap3A_111 : i32 to index
    %swap3A_113 = arith.constant 0 : index
    %swap3A_114 = tpu.vector_load %arg5[%swap3A_112, %swap3A_113] {strides = array<i32>} : memref<80x16xf32, #tpu.memory_space<vmem>>, vector<1x16xf32>,
    %swap3A_115 = vector.shape_cast %swap3A_114 : vector<1x16xf32> to vector<16xf32>
    %swap3A_116 = vector.shape_cast %broadcast_in_dim3A_3 : vector<16xf32> to vector<1x16xf32>
    tpu.vector_store %arg5[%swap3A_112, %swap3A_113], %swap3A_116 {strides = array<i32>} : memref<80x16xf32, #tpu.memory_space<vmem>>, vector<1x16xf32>,
    %swap3A_117 = arith.constant 19 : i32
    %swap3A_118 = arith.index_cast %swap3A_117 : i32 to index
    %swap3A_119 = arith.constant 0 : index
    %swap3A_120 = tpu.vector_load %arg5[%swap3A_118, %swap3A_119] {strides = array<i32>} : memref<80x16xf32, #tpu.memory_space<vmem>>, vector<1x16xf32>,
    %swap3A_121 = vector.shape_cast %swap3A_120 : vector<1x16xf32> to vector<16xf32>
    %swap3A_122 = vector.shape_cast %broadcast_in_dim3A_3 : vector<16xf32> to vector<1x16xf32>
    tpu.vector_store %arg5[%swap3A_118, %swap3A_119], %swap3A_122 {strides = array<i32>} : memref<80x16xf32, #tpu.memory_space<vmem>>, vector<1x16xf32>,
    %swap3A_123 = arith.constant 20 : i32
    %swap3A_124 = arith.index_cast %swap3A_123 : i32 to index
    %swap3A_125 = arith.constant 0 : index
    %swap3A_126 = tpu.vector_load %arg5[%swap3A_124, %swap3A_125] {strides = array<i32>} : memref<80x16xf32, #tpu.memory_space<vmem>>, vector<1x16xf32>,
    %swap3A_127 = vector.shape_cast %swap3A_126 : vector<1x16xf32> to vector<16xf32>
    %swap3A_128 = vector.shape_cast %broadcast_in_dim3A_3 : vector<16xf32> to vector<1x16xf32>
    tpu.vector_store %arg5[%swap3A_124, %swap3A_125], %swap3A_128 {strides = array<i32>} : memref<80x16xf32, #tpu.memory_space<vmem>>, vector<1x16xf32>,
    %swap3A_129 = arith.constant 21 : i32
    %swap3A_130 = arith.index_cast %swap3A_129 : i32 to index
    %swap3A_131 = arith.constant 0 : index
    %swap3A_132 = tpu.vector_load %arg5[%swap3A_130, %swap3A_131] {strides = array<i32>} : memref<80x16xf32, #tpu.memory_space<vmem>>, vector<1x16xf32>,
    %swap3A_133 = vector.shape_cast %swap3A_132 : vector<1x16xf32> to vector<16xf32>
    %swap3A_134 = vector.shape_cast %broadcast_in_dim3A_3 : vector<16xf32> to vector<1x16xf32>
    tpu.vector_store %arg5[%swap3A_130, %swap3A_131], %swap3A_134 {strides = array<i32>} : memref<80x16xf32, #tpu.memory_space<vmem>>, vector<1x16xf32>,
    %swap3A_135 = arith.constant 22 : i32
    %swap3A_136 = arith.index_cast %swap3A_135 : i32 to index
    %swap3A_137 = arith.constant 0 : index
    %swap3A_138 = tpu.vector_load %arg5[%swap3A_136, %swap3A_137] {strides = array<i32>} : memref<80x16xf32, #tpu.memory_space<vmem>>, vector<1x16xf32>,
    %swap3A_139 = vector.shape_cast %swap3A_138 : vector<1x16xf32> to vector<16xf32>
    %swap3A_140 = vector.shape_cast %broadcast_in_dim3A_3 : vector<16xf32> to vector<1x16xf32>
    tpu.vector_store %arg5[%swap3A_136, %swap3A_137], %swap3A_140 {strides = array<i32>} : memref<80x16xf32, #tpu.memory_space<vmem>>, vector<1x16xf32>,
    %swap3A_141 = arith.constant 23 : i32
    %swap3A_142 = arith.index_cast %swap3A_141 : i32 to index
    %swap3A_143 = arith.constant 0 : index
    %swap3A_144 = tpu.vector_load %arg5[%swap3A_142, %swap3A_143] {strides = array<i32>} : memref<80x16xf32, #tpu.memory_space<vmem>>, vector<1x16xf32>,
    %swap3A_145 = vector.shape_cast %swap3A_144 : vector<1x16xf32> to vector<16xf32>
    %swap3A_146 = vector.shape_cast %broadcast_in_dim3A_3 : vector<16xf32> to vector<1x16xf32>
    tpu.vector_store %arg5[%swap3A_142, %swap3A_143], %swap3A_146 {strides = array<i32>} : memref<80x16xf32, #tpu.memory_space<vmem>>, vector<1x16xf32>,
    %swap3A_147 = arith.constant 24 : i32
    %swap3A_148 = arith.index_cast %swap3A_147 : i32 to index
    %swap3A_149 = arith.constant 0 : index
    %swap3A_150 = tpu.vector_load %arg5[%swap3A_148, %swap3A_149] {strides = array<i32>} : memref<80x16xf32, #tpu.memory_space<vmem>>, vector<1x16xf32>,
    %swap3A_151 = vector.shape_cast %swap3A_150 : vector<1x16xf32> to vector<16xf32>
    %swap3A_152 = vector.shape_cast %broadcast_in_dim3A_3 : vector<16xf32> to vector<1x16xf32>
    tpu.vector_store %arg5[%swap3A_148, %swap3A_149], %swap3A_152 {strides = array<i32>} : memref<80x16xf32, #tpu.memory_space<vmem>>, vector<1x16xf32>,
    %swap3A_153 = arith.constant 25 : i32
    %swap3A_154 = arith.index_cast %swap3A_153 : i32 to index
    %swap3A_155 = arith.constant 0 : index
    %swap3A_156 = tpu.vector_load %arg5[%swap3A_154, %swap3A_155] {strides = array<i32>} : memref<80x16xf32, #tpu.memory_space<vmem>>, vector<1x16xf32>,
    %swap3A_157 = vector.shape_cast %swap3A_156 : vector<1x16xf32> to vector<16xf32>
    %swap3A_158 = vector.shape_cast %broadcast_in_dim3A_3 : vector<16xf32> to vector<1x16xf32>
    tpu.vector_store %arg5[%swap3A_154, %swap3A_155], %swap3A_158 {strides = array<i32>} : memref<80x16xf32, #tpu.memory_space<vmem>>, vector<1x16xf32>,
    %swap3A_159 = arith.constant 26 : i32
    %swap3A_160 = arith.index_cast %swap3A_159 : i32 to index
    %swap3A_161 = arith.constant 0 : index
    %swap3A_162 = tpu.vector_load %arg5[%swap3A_160, %swap3A_161] {strides = array<i32>} : memref<80x16xf32, #tpu.memory_space<vmem>>, vector<1x16xf32>,
    %swap3A_163 = vector.shape_cast %swap3A_162 : vector<1x16xf32> to vector<16xf32>
    %swap3A_164 = vector.shape_cast %broadcast_in_dim3A_3 : vector<16xf32> to vector<1x16xf32>
    tpu.vector_store %arg5[%swap3A_160, %swap3A_161], %swap3A_164 {strides = array<i32>} : memref<80x16xf32, #tpu.memory_space<vmem>>, vector<1x16xf32>,
    %swap3A_165 = arith.constant 27 : i32
    %swap3A_166 = arith.index_cast %swap3A_165 : i32 to index
    %swap3A_167 = arith.constant 0 : index
    %swap3A_168 = tpu.vector_load %arg5[%swap3A_166, %swap3A_167] {strides = array<i32>} : memref<80x16xf32, #tpu.memory_space<vmem>>, vector<1x16xf32>,
    %swap3A_169 = vector.shape_cast %swap3A_168 : vector<1x16xf32> to vector<16xf32>
    %swap3A_170 = vector.shape_cast %broadcast_in_dim3A_3 : vector<16xf32> to vector<1x16xf32>
    tpu.vector_store %arg5[%swap3A_166, %swap3A_167], %swap3A_170 {strides = array<i32>} : memref<80x16xf32, #tpu.memory_space<vmem>>, vector<1x16xf32>,
    %swap3A_171 = arith.constant 28 : i32
    %swap3A_172 = arith.index_cast %swap3A_171 : i32 to index
    %swap3A_173 = arith.constant 0 : index
    %swap3A_174 = tpu.vector_load %arg5[%swap3A_172, %swap3A_173] {strides = array<i32>} : memref<80x16xf32, #tpu.memory_space<vmem>>, vector<1x16xf32>,
    %swap3A_175 = vector.shape_cast %swap3A_174 : vector<1x16xf32> to vector<16xf32>
    %swap3A_176 = vector.shape_cast %broadcast_in_dim3A_3 : vector<16xf32> to vector<1x16xf32>
    tpu.vector_store %arg5[%swap3A_172, %swap3A_173], %swap3A_176 {strides = array<i32>} : memref<80x16xf32, #tpu.memory_space<vmem>>, vector<1x16xf32>,
    %swap3A_177 = arith.constant 29 : i32
    %swap3A_178 = arith.index_cast %swap3A_177 : i32 to index
    %swap3A_179 = arith.constant 0 : index
    %swap3A_180 = tpu.vector_load %arg5[%swap3A_178, %swap3A_179] {strides = array<i32>} : memref<80x16xf32, #tpu.memory_space<vmem>>, vector<1x16xf32>,
    %swap3A_181 = vector.shape_cast %swap3A_180 : vector<1x16xf32> to vector<16xf32>
    %swap3A_182 = vector.shape_cast %broadcast_in_dim3A_3 : vector<16xf32> to vector<1x16xf32>
    tpu.vector_store %arg5[%swap3A_178, %swap3A_179], %swap3A_182 {strides = array<i32>} : memref<80x16xf32, #tpu.memory_space<vmem>>, vector<1x16xf32>,
    %swap3A_183 = arith.constant 30 : i32
    %swap3A_184 = arith.index_cast %swap3A_183 : i32 to index
    %swap3A_185 = arith.constant 0 : index
    %swap3A_186 = tpu.vector_load %arg5[%swap3A_184, %swap3A_185] {strides = array<i32>} : memref<80x16xf32, #tpu.memory_space<vmem>>, vector<1x16xf32>,
    %swap3A_187 = vector.shape_cast %swap3A_186 : vector<1x16xf32> to vector<16xf32>
    %swap3A_188 = vector.shape_cast %broadcast_in_dim3A_3 : vector<16xf32> to vector<1x16xf32>
    tpu.vector_store %arg5[%swap3A_184, %swap3A_185], %swap3A_188 {strides = array<i32>} : memref<80x16xf32, #tpu.memory_space<vmem>>, vector<1x16xf32>,
    %swap3A_189 = arith.constant 31 : i32
    %swap3A_190 = arith.index_cast %swap3A_189 : i32 to index
    %swap3A_191 = arith.constant 0 : index
    %swap3A_192 = tpu.vector_load %arg5[%swap3A_190, %swap3A_191] {strides = array<i32>} : memref<80x16xf32, #tpu.memory_space<vmem>>, vector<1x16xf32>,
    %swap3A_193 = vector.shape_cast %swap3A_192 : vector<1x16xf32> to vector<16xf32>
    %swap3A_194 = vector.shape_cast %broadcast_in_dim3A_3 : vector<16xf32> to vector<1x16xf32>
    tpu.vector_store %arg5[%swap3A_190, %swap3A_191], %swap3A_194 {strides = array<i32>} : memref<80x16xf32, #tpu.memory_space<vmem>>, vector<1x16xf32>,
    %swap3A_195 = arith.constant 32 : i32
    %swap3A_196 = arith.index_cast %swap3A_195 : i32 to index
    %swap3A_197 = arith.constant 0 : index
    %swap3A_198 = tpu.vector_load %arg5[%swap3A_196, %swap3A_197] {strides = array<i32>} : memref<80x16xf32, #tpu.memory_space<vmem>>, vector<1x16xf32>,
    %swap3A_199 = vector.shape_cast %swap3A_198 : vector<1x16xf32> to vector<16xf32>
    %swap3A_200 = vector.shape_cast %broadcast_in_dim3A_3 : vector<16xf32> to vector<1x16xf32>
    tpu.vector_store %arg5[%swap3A_196, %swap3A_197], %swap3A_200 {strides = array<i32>} : memref<80x16xf32, #tpu.memory_space<vmem>>, vector<1x16xf32>,
    %swap3A_201 = arith.constant 33 : i32
    %swap3A_202 = arith.index_cast %swap3A_201 : i32 to index
    %swap3A_203 = arith.constant 0 : index
    %swap3A_204 = tpu.vector_load %arg5[%swap3A_202, %swap3A_203] {strides = array<i32>} : memref<80x16xf32, #tpu.memory_space<vmem>>, vector<1x16xf32>,
    %swap3A_205 = vector.shape_cast %swap3A_204 : vector<1x16xf32> to vector<16xf32>
    %swap3A_206 = vector.shape_cast %broadcast_in_dim3A_3 : vector<16xf32> to vector<1x16xf32>
    tpu.vector_store %arg5[%swap3A_202, %swap3A_203], %swap3A_206 {strides = array<i32>} : memref<80x16xf32, #tpu.memory_space<vmem>>, vector<1x16xf32>,
    %swap3A_207 = arith.constant 34 : i32
    %swap3A_208 = arith.index_cast %swap3A_207 : i32 to index
    %swap3A_209 = arith.constant 0 : index
    %swap3A_210 = tpu.vector_load %arg5[%swap3A_208, %swap3A_209] {strides = array<i32>} : memref<80x16xf32, #tpu.memory_space<vmem>>, vector<1x16xf32>,
    %swap3A_211 = vector.shape_cast %swap3A_210 : vector<1x16xf32> to vector<16xf32>
    %swap3A_212 = vector.shape_cast %broadcast_in_dim3A_3 : vector<16xf32> to vector<1x16xf32>
    tpu.vector_store %arg5[%swap3A_208, %swap3A_209], %swap3A_212 {strides = array<i32>} : memref<80x16xf32, #tpu.memory_space<vmem>>, vector<1x16xf32>,
    %swap3A_213 = arith.constant 35 : i32
    %swap3A_214 = arith.index_cast %swap3A_213 : i32 to index
    %swap3A_215 = arith.constant 0 : index
    %swap3A_216 = tpu.vector_load %arg5[%swap3A_214, %swap3A_215] {strides = array<i32>} : memref<80x16xf32, #tpu.memory_space<vmem>>, vector<1x16xf32>,
    %swap3A_217 = vector.shape_cast %swap3A_216 : vector<1x16xf32> to vector<16xf32>
    %swap3A_218 = vector.shape_cast %broadcast_in_dim3A_3 : vector<16xf32> to vector<1x16xf32>
    tpu.vector_store %arg5[%swap3A_214, %swap3A_215], %swap3A_218 {strides = array<i32>} : memref<80x16xf32, #tpu.memory_space<vmem>>, vector<1x16xf32>,
    %swap3A_219 = arith.constant 36 : i32
    %swap3A_220 = arith.index_cast %swap3A_219 : i32 to index
    %swap3A_221 = arith.constant 0 : index
    %swap3A_222 = tpu.vector_load %arg5[%swap3A_220, %swap3A_221] {strides = array<i32>} : memref<80x16xf32, #tpu.memory_space<vmem>>, vector<1x16xf32>,
    %swap3A_223 = vector.shape_cast %swap3A_222 : vector<1x16xf32> to vector<16xf32>
    %swap3A_224 = vector.shape_cast %broadcast_in_dim3A_3 : vector<16xf32> to vector<1x16xf32>
    tpu.vector_store %arg5[%swap3A_220, %swap3A_221], %swap3A_224 {strides = array<i32>} : memref<80x16xf32, #tpu.memory_space<vmem>>, vector<1x16xf32>,
    %swap3A_225 = arith.constant 37 : i32
    %swap3A_226 = arith.index_cast %swap3A_225 : i32 to index
    %swap3A_227 = arith.constant 0 : index
    %swap3A_228 = tpu.vector_load %arg5[%swap3A_226, %swap3A_227] {strides = array<i32>} : memref<80x16xf32, #tpu.memory_space<vmem>>, vector<1x16xf32>,
    %swap3A_229 = vector.shape_cast %swap3A_228 : vector<1x16xf32> to vector<16xf32>
    %swap3A_230 = vector.shape_cast %broadcast_in_dim3A_3 : vector<16xf32> to vector<1x16xf32>
    tpu.vector_store %arg5[%swap3A_226, %swap3A_227], %swap3A_230 {strides = array<i32>} : memref<80x16xf32, #tpu.memory_space<vmem>>, vector<1x16xf32>,
    %swap3A_231 = arith.constant 38 : i32
    %swap3A_232 = arith.index_cast %swap3A_231 : i32 to index
    %swap3A_233 = arith.constant 0 : index
    %swap3A_234 = tpu.vector_load %arg5[%swap3A_232, %swap3A_233] {strides = array<i32>} : memref<80x16xf32, #tpu.memory_space<vmem>>, vector<1x16xf32>,
    %swap3A_235 = vector.shape_cast %swap3A_234 : vector<1x16xf32> to vector<16xf32>
    %swap3A_236 = vector.shape_cast %broadcast_in_dim3A_3 : vector<16xf32> to vector<1x16xf32>
    tpu.vector_store %arg5[%swap3A_232, %swap3A_233], %swap3A_236 {strides = array<i32>} : memref<80x16xf32, #tpu.memory_space<vmem>>, vector<1x16xf32>,
    %swap3A_237 = arith.constant 39 : i32
    %swap3A_238 = arith.index_cast %swap3A_237 : i32 to index
    %swap3A_239 = arith.constant 0 : index
    %swap3A_240 = tpu.vector_load %arg5[%swap3A_238, %swap3A_239] {strides = array<i32>} : memref<80x16xf32, #tpu.memory_space<vmem>>, vector<1x16xf32>,
    %swap3A_241 = vector.shape_cast %swap3A_240 : vector<1x16xf32> to vector<16xf32>
    %swap3A_242 = vector.shape_cast %broadcast_in_dim3A_3 : vector<16xf32> to vector<1x16xf32>
    tpu.vector_store %arg5[%swap3A_238, %swap3A_239], %swap3A_242 {strides = array<i32>} : memref<80x16xf32, #tpu.memory_space<vmem>>, vector<1x16xf32>,
    %swap3A_243 = arith.constant 40 : i32
    %swap3A_244 = arith.index_cast %swap3A_243 : i32 to index
    %swap3A_245 = arith.constant 0 : index
    %swap3A_246 = tpu.vector_load %arg5[%swap3A_244, %swap3A_245] {strides = array<i32>} : memref<80x16xf32, #tpu.memory_space<vmem>>, vector<1x16xf32>,
    %swap3A_247 = vector.shape_cast %swap3A_246 : vector<1x16xf32> to vector<16xf32>
    %swap3A_248 = vector.shape_cast %broadcast_in_dim3A_3 : vector<16xf32> to vector<1x16xf32>
    tpu.vector_store %arg5[%swap3A_244, %swap3A_245], %swap3A_248 {strides = array<i32>} : memref<80x16xf32, #tpu.memory_space<vmem>>, vector<1x16xf32>,
    %swap3A_249 = arith.constant 41 : i32
    %swap3A_250 = arith.index_cast %swap3A_249 : i32 to index
    %swap3A_251 = arith.constant 0 : index
    %swap3A_252 = tpu.vector_load %arg5[%swap3A_250, %swap3A_251] {strides = array<i32>} : memref<80x16xf32, #tpu.memory_space<vmem>>, vector<1x16xf32>,
    %swap3A_253 = vector.shape_cast %swap3A_252 : vector<1x16xf32> to vector<16xf32>
    %swap3A_254 = vector.shape_cast %broadcast_in_dim3A_3 : vector<16xf32> to vector<1x16xf32>
    tpu.vector_store %arg5[%swap3A_250, %swap3A_251], %swap3A_254 {strides = array<i32>} : memref<80x16xf32, #tpu.memory_space<vmem>>, vector<1x16xf32>,
    %swap3A_255 = arith.constant 42 : i32
    %swap3A_256 = arith.index_cast %swap3A_255 : i32 to index
    %swap3A_257 = arith.constant 0 : index
    %swap3A_258 = tpu.vector_load %arg5[%swap3A_256, %swap3A_257] {strides = array<i32>} : memref<80x16xf32, #tpu.memory_space<vmem>>, vector<1x16xf32>,
    %swap3A_259 = vector.shape_cast %swap3A_258 : vector<1x16xf32> to vector<16xf32>
    %swap3A_260 = vector.shape_cast %broadcast_in_dim3A_3 : vector<16xf32> to vector<1x16xf32>
    tpu.vector_store %arg5[%swap3A_256, %swap3A_257], %swap3A_260 {strides = array<i32>} : memref<80x16xf32, #tpu.memory_space<vmem>>, vector<1x16xf32>,
    %swap3A_261 = arith.constant 43 : i32
    %swap3A_262 = arith.index_cast %swap3A_261 : i32 to index
    %swap3A_263 = arith.constant 0 : index
    %swap3A_264 = tpu.vector_load %arg5[%swap3A_262, %swap3A_263] {strides = array<i32>} : memref<80x16xf32, #tpu.memory_space<vmem>>, vector<1x16xf32>,
    %swap3A_265 = vector.shape_cast %swap3A_264 : vector<1x16xf32> to vector<16xf32>
    %swap3A_266 = vector.shape_cast %broadcast_in_dim3A_3 : vector<16xf32> to vector<1x16xf32>
    tpu.vector_store %arg5[%swap3A_262, %swap3A_263], %swap3A_266 {strides = array<i32>} : memref<80x16xf32, #tpu.memory_space<vmem>>, vector<1x16xf32>,
    %swap3A_267 = arith.constant 44 : i32
    %swap3A_268 = arith.index_cast %swap3A_267 : i32 to index
    %swap3A_269 = arith.constant 0 : index
    %swap3A_270 = tpu.vector_load %arg5[%swap3A_268, %swap3A_269] {strides = array<i32>} : memref<80x16xf32, #tpu.memory_space<vmem>>, vector<1x16xf32>,
    %swap3A_271 = vector.shape_cast %swap3A_270 : vector<1x16xf32> to vector<16xf32>
    %swap3A_272 = vector.shape_cast %broadcast_in_dim3A_3 : vector<16xf32> to vector<1x16xf32>
    tpu.vector_store %arg5[%swap3A_268, %swap3A_269], %swap3A_272 {strides = array<i32>} : memref<80x16xf32, #tpu.memory_space<vmem>>, vector<1x16xf32>,
    %swap3A_273 = arith.constant 45 : i32
    %swap3A_274 = arith.index_cast %swap3A_273 : i32 to index
    %swap3A_275 = arith.constant 0 : index
    %swap3A_276 = tpu.vector_load %arg5[%swap3A_274, %swap3A_275] {strides = array<i32>} : memref<80x16xf32, #tpu.memory_space<vmem>>, vector<1x16xf32>,
    %swap3A_277 = vector.shape_cast %swap3A_276 : vector<1x16xf32> to vector<16xf32>
    %swap3A_278 = vector.shape_cast %broadcast_in_dim3A_3 : vector<16xf32> to vector<1x16xf32>
    tpu.vector_store %arg5[%swap3A_274, %swap3A_275], %swap3A_278 {strides = array<i32>} : memref<80x16xf32, #tpu.memory_space<vmem>>, vector<1x16xf32>,
    %swap3A_279 = arith.constant 46 : i32
    %swap3A_280 = arith.index_cast %swap3A_279 : i32 to index
    %swap3A_281 = arith.constant 0 : index
    %swap3A_282 = tpu.vector_load %arg5[%swap3A_280, %swap3A_281] {strides = array<i32>} : memref<80x16xf32, #tpu.memory_space<vmem>>, vector<1x16xf32>,
    %swap3A_283 = vector.shape_cast %swap3A_282 : vector<1x16xf32> to vector<16xf32>
    %swap3A_284 = vector.shape_cast %broadcast_in_dim3A_3 : vector<16xf32> to vector<1x16xf32>
    tpu.vector_store %arg5[%swap3A_280, %swap3A_281], %swap3A_284 {strides = array<i32>} : memref<80x16xf32, #tpu.memory_space<vmem>>, vector<1x16xf32>,
    %swap3A_285 = arith.constant 47 : i32
    %swap3A_286 = arith.index_cast %swap3A_285 : i32 to index
    %swap3A_287 = arith.constant 0 : index
    %swap3A_288 = tpu.vector_load %arg5[%swap3A_286, %swap3A_287] {strides = array<i32>} : memref<80x16xf32, #tpu.memory_space<vmem>>, vector<1x16xf32>,
    %swap3A_289 = vector.shape_cast %swap3A_288 : vector<1x16xf32> to vector<16xf32>
    %swap3A_290 = vector.shape_cast %broadcast_in_dim3A_3 : vector<16xf32> to vector<1x16xf32>
    tpu.vector_store %arg5[%swap3A_286, %swap3A_287], %swap3A_290 {strides = array<i32>} : memref<80x16xf32, #tpu.memory_space<vmem>>, vector<1x16xf32>,
    %swap3A_291 = arith.constant 48 : i32
    %swap3A_292 = arith.index_cast %swap3A_291 : i32 to index
    %swap3A_293 = arith.constant 0 : index
    %swap3A_294 = tpu.vector_load %arg5[%swap3A_292, %swap3A_293] {strides = array<i32>} : memref<80x16xf32, #tpu.memory_space<vmem>>, vector<1x16xf32>,
    %swap3A_295 = vector.shape_cast %swap3A_294 : vector<1x16xf32> to vector<16xf32>
    %swap3A_296 = vector.shape_cast %broadcast_in_dim3A_3 : vector<16xf32> to vector<1x16xf32>
    tpu.vector_store %arg5[%swap3A_292, %swap3A_293], %swap3A_296 {strides = array<i32>} : memref<80x16xf32, #tpu.memory_space<vmem>>, vector<1x16xf32>,
    %swap3A_297 = arith.constant 49 : i32
    %swap3A_298 = arith.index_cast %swap3A_297 : i32 to index
    %swap3A_299 = arith.constant 0 : index
    %swap3A_300 = tpu.vector_load %arg5[%swap3A_298, %swap3A_299] {strides = array<i32>} : memref<80x16xf32, #tpu.memory_space<vmem>>, vector<1x16xf32>,
    %swap3A_301 = vector.shape_cast %swap3A_300 : vector<1x16xf32> to vector<16xf32>
    %swap3A_302 = vector.shape_cast %broadcast_in_dim3A_3 : vector<16xf32> to vector<1x16xf32>
    tpu.vector_store %arg5[%swap3A_298, %swap3A_299], %swap3A_302 {strides = array<i32>} : memref<80x16xf32, #tpu.memory_space<vmem>>, vector<1x16xf32>,
    %swap3A_303 = arith.constant 50 : i32
    %swap3A_304 = arith.index_cast %swap3A_303 : i32 to index
    %swap3A_305 = arith.constant 0 : index
    %swap3A_306 = tpu.vector_load %arg5[%swap3A_304, %swap3A_305] {strides = array<i32>} : memref<80x16xf32, #tpu.memory_space<vmem>>, vector<1x16xf32>,
    %swap3A_307 = vector.shape_cast %swap3A_306 : vector<1x16xf32> to vector<16xf32>
    %swap3A_308 = vector.shape_cast %broadcast_in_dim3A_3 : vector<16xf32> to vector<1x16xf32>
    tpu.vector_store %arg5[%swap3A_304, %swap3A_305], %swap3A_308 {strides = array<i32>} : memref<80x16xf32, #tpu.memory_space<vmem>>, vector<1x16xf32>,
    %swap3A_309 = arith.constant 51 : i32
    %swap3A_310 = arith.index_cast %swap3A_309 : i32 to index
    %swap3A_311 = arith.constant 0 : index
    %swap3A_312 = tpu.vector_load %arg5[%swap3A_310, %swap3A_311] {strides = array<i32>} : memref<80x16xf32, #tpu.memory_space<vmem>>, vector<1x16xf32>,
    %swap3A_313 = vector.shape_cast %swap3A_312 : vector<1x16xf32> to vector<16xf32>
    %swap3A_314 = vector.shape_cast %broadcast_in_dim3A_3 : vector<16xf32> to vector<1x16xf32>
    tpu.vector_store %arg5[%swap3A_310, %swap3A_311], %swap3A_314 {strides = array<i32>} : memref<80x16xf32, #tpu.memory_space<vmem>>, vector<1x16xf32>,
    %swap3A_315 = arith.constant 52 : i32
    %swap3A_316 = arith.index_cast %swap3A_315 : i32 to index
    %swap3A_317 = arith.constant 0 : index
    %swap3A_318 = tpu.vector_load %arg5[%swap3A_316, %swap3A_317] {strides = array<i32>} : memref<80x16xf32, #tpu.memory_space<vmem>>, vector<1x16xf32>,
    %swap3A_319 = vector.shape_cast %swap3A_318 : vector<1x16xf32> to vector<16xf32>
    %swap3A_320 = vector.shape_cast %broadcast_in_dim3A_3 : vector<16xf32> to vector<1x16xf32>
    tpu.vector_store %arg5[%swap3A_316, %swap3A_317], %swap3A_320 {strides = array<i32>} : memref<80x16xf32, #tpu.memory_space<vmem>>, vector<1x16xf32>,
    %swap3A_321 = arith.constant 53 : i32
    %swap3A_322 = arith.index_cast %swap3A_321 : i32 to index
    %swap3A_323 = arith.constant 0 : index
    %swap3A_324 = tpu.vector_load %arg5[%swap3A_322, %swap3A_323] {strides = array<i32>} : memref<80x16xf32, #tpu.memory_space<vmem>>, vector<1x16xf32>,
    %swap3A_325 = vector.shape_cast %swap3A_324 : vector<1x16xf32> to vector<16xf32>
    %swap3A_326 = vector.shape_cast %broadcast_in_dim3A_3 : vector<16xf32> to vector<1x16xf32>
    tpu.vector_store %arg5[%swap3A_322, %swap3A_323], %swap3A_326 {strides = array<i32>} : memref<80x16xf32, #tpu.memory_space<vmem>>, vector<1x16xf32>,
    %swap3A_327 = arith.constant 54 : i32
    %swap3A_328 = arith.index_cast %swap3A_327 : i32 to index
    %swap3A_329 = arith.constant 0 : index
    %swap3A_330 = tpu.vector_load %arg5[%swap3A_328, %swap3A_329] {strides = array<i32>} : memref<80x16xf32, #tpu.memory_space<vmem>>, vector<1x16xf32>,
    %swap3A_331 = vector.shape_cast %swap3A_330 : vector<1x16xf32> to vector<16xf32>
    %swap3A_332 = vector.shape_cast %broadcast_in_dim3A_3 : vector<16xf32> to vector<1x16xf32>
    tpu.vector_store %arg5[%swap3A_328, %swap3A_329], %swap3A_332 {strides = array<i32>} : memref<80x16xf32, #tpu.memory_space<vmem>>, vector<1x16xf32>,
    %swap3A_333 = arith.constant 55 : i32
    %swap3A_334 = arith.index_cast %swap3A_333 : i32 to index
    %swap3A_335 = arith.constant 0 : index
    %swap3A_336 = tpu.vector_load %arg5[%swap3A_334, %swap3A_335] {strides = array<i32>} : memref<80x16xf32, #tpu.memory_space<vmem>>, vector<1x16xf32>,
    %swap3A_337 = vector.shape_cast %swap3A_336 : vector<1x16xf32> to vector<16xf32>
    %swap3A_338 = vector.shape_cast %broadcast_in_dim3A_3 : vector<16xf32> to vector<1x16xf32>
    tpu.vector_store %arg5[%swap3A_334, %swap3A_335], %swap3A_338 {strides = array<i32>} : memref<80x16xf32, #tpu.memory_space<vmem>>, vector<1x16xf32>,
    %swap3A_339 = arith.constant 56 : i32
    %swap3A_340 = arith.index_cast %swap3A_339 : i32 to index
    %swap3A_341 = arith.constant 0 : index
    %swap3A_342 = tpu.vector_load %arg5[%swap3A_340, %swap3A_341] {strides = array<i32>} : memref<80x16xf32, #tpu.memory_space<vmem>>, vector<1x16xf32>,
    %swap3A_343 = vector.shape_cast %swap3A_342 : vector<1x16xf32> to vector<16xf32>
    %swap3A_344 = vector.shape_cast %broadcast_in_dim3A_3 : vector<16xf32> to vector<1x16xf32>
    tpu.vector_store %arg5[%swap3A_340, %swap3A_341], %swap3A_344 {strides = array<i32>} : memref<80x16xf32, #tpu.memory_space<vmem>>, vector<1x16xf32>,
    %swap3A_345 = arith.constant 57 : i32
    %swap3A_346 = arith.index_cast %swap3A_345 : i32 to index
    %swap3A_347 = arith.constant 0 : index
    %swap3A_348 = tpu.vector_load %arg5[%swap3A_346, %swap3A_347] {strides = array<i32>} : memref<80x16xf32, #tpu.memory_space<vmem>>, vector<1x16xf32>,
    %swap3A_349 = vector.shape_cast %swap3A_348 : vector<1x16xf32> to vector<16xf32>
    %swap3A_350 = vector.shape_cast %broadcast_in_dim3A_3 : vector<16xf32> to vector<1x16xf32>
    tpu.vector_store %arg5[%swap3A_346, %swap3A_347], %swap3A_350 {strides = array<i32>} : memref<80x16xf32, #tpu.memory_space<vmem>>, vector<1x16xf32>,
    %swap3A_351 = arith.constant 58 : i32
    %swap3A_352 = arith.index_cast %swap3A_351 : i32 to index
    %swap3A_353 = arith.constant 0 : index
    %swap3A_354 = tpu.vector_load %arg5[%swap3A_352, %swap3A_353] {strides = array<i32>} : memref<80x16xf32, #tpu.memory_space<vmem>>, vector<1x16xf32>,
    %swap3A_355 = vector.shape_cast %swap3A_354 : vector<1x16xf32> to vector<16xf32>
    %swap3A_356 = vector.shape_cast %broadcast_in_dim3A_3 : vector<16xf32> to vector<1x16xf32>
    tpu.vector_store %arg5[%swap3A_352, %swap3A_353], %swap3A_356 {strides = array<i32>} : memref<80x16xf32, #tpu.memory_space<vmem>>, vector<1x16xf32>,
    %swap3A_357 = arith.constant 59 : i32
    %swap3A_358 = arith.index_cast %swap3A_357 : i32 to index
    %swap3A_359 = arith.constant 0 : index
    %swap3A_360 = tpu.vector_load %arg5[%swap3A_358, %swap3A_359] {strides = array<i32>} : memref<80x16xf32, #tpu.memory_space<vmem>>, vector<1x16xf32>,
    %swap3A_361 = vector.shape_cast %swap3A_360 : vector<1x16xf32> to vector<16xf32>
    %swap3A_362 = vector.shape_cast %broadcast_in_dim3A_3 : vector<16xf32> to vector<1x16xf32>
    tpu.vector_store %arg5[%swap3A_358, %swap3A_359], %swap3A_362 {strides = array<i32>} : memref<80x16xf32, #tpu.memory_space<vmem>>, vector<1x16xf32>,
    %swap3A_363 = arith.constant 60 : i32
    %swap3A_364 = arith.index_cast %swap3A_363 : i32 to index
    %swap3A_365 = arith.constant 0 : index
    %swap3A_366 = tpu.vector_load %arg5[%swap3A_364, %swap3A_365] {strides = array<i32>} : memref<80x16xf32, #tpu.memory_space<vmem>>, vector<1x16xf32>,
    %swap3A_367 = vector.shape_cast %swap3A_366 : vector<1x16xf32> to vector<16xf32>
    %swap3A_368 = vector.shape_cast %broadcast_in_dim3A_3 : vector<16xf32> to vector<1x16xf32>
    tpu.vector_store %arg5[%swap3A_364, %swap3A_365], %swap3A_368 {strides = array<i32>} : memref<80x16xf32, #tpu.memory_space<vmem>>, vector<1x16xf32>,
    %swap3A_369 = arith.constant 61 : i32
    %swap3A_370 = arith.index_cast %swap3A_369 : i32 to index
    %swap3A_371 = arith.constant 0 : index
    %swap3A_372 = tpu.vector_load %arg5[%swap3A_370, %swap3A_371] {strides = array<i32>} : memref<80x16xf32, #tpu.memory_space<vmem>>, vector<1x16xf32>,
    %swap3A_373 = vector.shape_cast %swap3A_372 : vector<1x16xf32> to vector<16xf32>
    %swap3A_374 = vector.shape_cast %broadcast_in_dim3A_3 : vector<16xf32> to vector<1x16xf32>
    tpu.vector_store %arg5[%swap3A_370, %swap3A_371], %swap3A_374 {strides = array<i32>} : memref<80x16xf32, #tpu.memory_space<vmem>>, vector<1x16xf32>,
    %swap3A_375 = arith.constant 62 : i32
    %swap3A_376 = arith.index_cast %swap3A_375 : i32 to index
    %swap3A_377 = arith.constant 0 : index
    %swap3A_378 = tpu.vector_load %arg5[%swap3A_376, %swap3A_377] {strides = array<i32>} : memref<80x16xf32, #tpu.memory_space<vmem>>, vector<1x16xf32>,
    %swap3A_379 = vector.shape_cast %swap3A_378 : vector<1x16xf32> to vector<16xf32>
    %swap3A_380 = vector.shape_cast %broadcast_in_dim3A_3 : vector<16xf32> to vector<1x16xf32>
    tpu.vector_store %arg5[%swap3A_376, %swap3A_377], %swap3A_380 {strides = array<i32>} : memref<80x16xf32, #tpu.memory_space<vmem>>, vector<1x16xf32>,
    %swap3A_381 = arith.constant 63 : i32
    %swap3A_382 = arith.index_cast %swap3A_381 : i32 to index
    %swap3A_383 = arith.constant 0 : index
    %swap3A_384 = tpu.vector_load %arg5[%swap3A_382, %swap3A_383] {strides = array<i32>} : memref<80x16xf32, #tpu.memory_space<vmem>>, vector<1x16xf32>,
    %swap3A_385 = vector.shape_cast %swap3A_384 : vector<1x16xf32> to vector<16xf32>
    %swap3A_386 = vector.shape_cast %broadcast_in_dim3A_3 : vector<16xf32> to vector<1x16xf32>
    tpu.vector_store %arg5[%swap3A_382, %swap3A_383], %swap3A_386 {strides = array<i32>} : memref<80x16xf32, #tpu.memory_space<vmem>>, vector<1x16xf32>,
    %swap3A_387 = arith.constant 64 : i32
    %swap3A_388 = arith.index_cast %swap3A_387 : i32 to index
    %swap3A_389 = arith.constant 0 : index
    %swap3A_390 = tpu.vector_load %arg5[%swap3A_388, %swap3A_389] {strides = array<i32>} : memref<80x16xf32, #tpu.memory_space<vmem>>, vector<1x16xf32>,
    %swap3A_391 = vector.shape_cast %swap3A_390 : vector<1x16xf32> to vector<16xf32>
    %swap3A_392 = vector.shape_cast %broadcast_in_dim3A_3 : vector<16xf32> to vector<1x16xf32>
    tpu.vector_store %arg5[%swap3A_388, %swap3A_389], %swap3A_392 {strides = array<i32>} : memref<80x16xf32, #tpu.memory_space<vmem>>, vector<1x16xf32>,
    %swap3A_393 = arith.constant 65 : i32
    %swap3A_394 = arith.index_cast %swap3A_393 : i32 to index
    %swap3A_395 = arith.constant 0 : index
    %swap3A_396 = tpu.vector_load %arg5[%swap3A_394, %swap3A_395] {strides = array<i32>} : memref<80x16xf32, #tpu.memory_space<vmem>>, vector<1x16xf32>,
    %swap3A_397 = vector.shape_cast %swap3A_396 : vector<1x16xf32> to vector<16xf32>
    %swap3A_398 = vector.shape_cast %broadcast_in_dim3A_3 : vector<16xf32> to vector<1x16xf32>
    tpu.vector_store %arg5[%swap3A_394, %swap3A_395], %swap3A_398 {strides = array<i32>} : memref<80x16xf32, #tpu.memory_space<vmem>>, vector<1x16xf32>,
    %swap3A_399 = arith.constant 66 : i32
    %swap3A_400 = arith.index_cast %swap3A_399 : i32 to index
    %swap3A_401 = arith.constant 0 : index
    %swap3A_402 = tpu.vector_load %arg5[%swap3A_400, %swap3A_401] {strides = array<i32>} : memref<80x16xf32, #tpu.memory_space<vmem>>, vector<1x16xf32>,
    %swap3A_403 = vector.shape_cast %swap3A_402 : vector<1x16xf32> to vector<16xf32>
    %swap3A_404 = vector.shape_cast %broadcast_in_dim3A_3 : vector<16xf32> to vector<1x16xf32>
    tpu.vector_store %arg5[%swap3A_400, %swap3A_401], %swap3A_404 {strides = array<i32>} : memref<80x16xf32, #tpu.memory_space<vmem>>, vector<1x16xf32>,
    %swap3A_405 = arith.constant 67 : i32
    %swap3A_406 = arith.index_cast %swap3A_405 : i32 to index
    %swap3A_407 = arith.constant 0 : index
    %swap3A_408 = tpu.vector_load %arg5[%swap3A_406, %swap3A_407] {strides = array<i32>} : memref<80x16xf32, #tpu.memory_space<vmem>>, vector<1x16xf32>,
    %swap3A_409 = vector.shape_cast %swap3A_408 : vector<1x16xf32> to vector<16xf32>
    %swap3A_410 = vector.shape_cast %broadcast_in_dim3A_3 : vector<16xf32> to vector<1x16xf32>
    tpu.vector_store %arg5[%swap3A_406, %swap3A_407], %swap3A_410 {strides = array<i32>} : memref<80x16xf32, #tpu.memory_space<vmem>>, vector<1x16xf32>,
    %swap3A_411 = arith.constant 68 : i32
    %swap3A_412 = arith.index_cast %swap3A_411 : i32 to index
    %swap3A_413 = arith.constant 0 : index
    %swap3A_414 = tpu.vector_load %arg5[%swap3A_412, %swap3A_413] {strides = array<i32>} : memref<80x16xf32, #tpu.memory_space<vmem>>, vector<1x16xf32>,
    %swap3A_415 = vector.shape_cast %swap3A_414 : vector<1x16xf32> to vector<16xf32>
    %swap3A_416 = vector.shape_cast %broadcast_in_dim3A_3 : vector<16xf32> to vector<1x16xf32>
    tpu.vector_store %arg5[%swap3A_412, %swap3A_413], %swap3A_416 {strides = array<i32>} : memref<80x16xf32, #tpu.memory_space<vmem>>, vector<1x16xf32>,
    %swap3A_417 = arith.constant 69 : i32
    %swap3A_418 = arith.index_cast %swap3A_417 : i32 to index
    %swap3A_419 = arith.constant 0 : index
    %swap3A_420 = tpu.vector_load %arg5[%swap3A_418, %swap3A_419] {strides = array<i32>} : memref<80x16xf32, #tpu.memory_space<vmem>>, vector<1x16xf32>,
    %swap3A_421 = vector.shape_cast %swap3A_420 : vector<1x16xf32> to vector<16xf32>
    %swap3A_422 = vector.shape_cast %broadcast_in_dim3A_3 : vector<16xf32> to vector<1x16xf32>
    tpu.vector_store %arg5[%swap3A_418, %swap3A_419], %swap3A_422 {strides = array<i32>} : memref<80x16xf32, #tpu.memory_space<vmem>>, vector<1x16xf32>,
    %swap3A_423 = arith.constant 70 : i32
    %swap3A_424 = arith.index_cast %swap3A_423 : i32 to index
    %swap3A_425 = arith.constant 0 : index
    %swap3A_426 = tpu.vector_load %arg5[%swap3A_424, %swap3A_425] {strides = array<i32>} : memref<80x16xf32, #tpu.memory_space<vmem>>, vector<1x16xf32>,
    %swap3A_427 = vector.shape_cast %swap3A_426 : vector<1x16xf32> to vector<16xf32>
    %swap3A_428 = vector.shape_cast %broadcast_in_dim3A_3 : vector<16xf32> to vector<1x16xf32>
    tpu.vector_store %arg5[%swap3A_424, %swap3A_425], %swap3A_428 {strides = array<i32>} : memref<80x16xf32, #tpu.memory_space<vmem>>, vector<1x16xf32>,
    %swap3A_429 = arith.constant 71 : i32
    %swap3A_430 = arith.index_cast %swap3A_429 : i32 to index
    %swap3A_431 = arith.constant 0 : index
    %swap3A_432 = tpu.vector_load %arg5[%swap3A_430, %swap3A_431] {strides = array<i32>} : memref<80x16xf32, #tpu.memory_space<vmem>>, vector<1x16xf32>,
    %swap3A_433 = vector.shape_cast %swap3A_432 : vector<1x16xf32> to vector<16xf32>
    %swap3A_434 = vector.shape_cast %broadcast_in_dim3A_3 : vector<16xf32> to vector<1x16xf32>
    tpu.vector_store %arg5[%swap3A_430, %swap3A_431], %swap3A_434 {strides = array<i32>} : memref<80x16xf32, #tpu.memory_space<vmem>>, vector<1x16xf32>,
    %swap3A_435 = arith.constant 72 : i32
    %swap3A_436 = arith.index_cast %swap3A_435 : i32 to index
    %swap3A_437 = arith.constant 0 : index
    %swap3A_438 = tpu.vector_load %arg5[%swap3A_436, %swap3A_437] {strides = array<i32>} : memref<80x16xf32, #tpu.memory_space<vmem>>, vector<1x16xf32>,
    %swap3A_439 = vector.shape_cast %swap3A_438 : vector<1x16xf32> to vector<16xf32>
    %swap3A_440 = vector.shape_cast %broadcast_in_dim3A_3 : vector<16xf32> to vector<1x16xf32>
    tpu.vector_store %arg5[%swap3A_436, %swap3A_437], %swap3A_440 {strides = array<i32>} : memref<80x16xf32, #tpu.memory_space<vmem>>, vector<1x16xf32>,
    %swap3A_441 = arith.constant 73 : i32
    %swap3A_442 = arith.index_cast %swap3A_441 : i32 to index
    %swap3A_443 = arith.constant 0 : index
    %swap3A_444 = tpu.vector_load %arg5[%swap3A_442, %swap3A_443] {strides = array<i32>} : memref<80x16xf32, #tpu.memory_space<vmem>>, vector<1x16xf32>,
    %swap3A_445 = vector.shape_cast %swap3A_444 : vector<1x16xf32> to vector<16xf32>
    %swap3A_446 = vector.shape_cast %broadcast_in_dim3A_3 : vector<16xf32> to vector<1x16xf32>
    tpu.vector_store %arg5[%swap3A_442, %swap3A_443], %swap3A_446 {strides = array<i32>} : memref<80x16xf32, #tpu.memory_space<vmem>>, vector<1x16xf32>,
    %swap3A_447 = arith.constant 74 : i32
    %swap3A_448 = arith.index_cast %swap3A_447 : i32 to index
    %swap3A_449 = arith.constant 0 : index
    %swap3A_450 = tpu.vector_load %arg5[%swap3A_448, %swap3A_449] {strides = array<i32>} : memref<80x16xf32, #tpu.memory_space<vmem>>, vector<1x16xf32>,
    %swap3A_451 = vector.shape_cast %swap3A_450 : vector<1x16xf32> to vector<16xf32>
    %swap3A_452 = vector.shape_cast %broadcast_in_dim3A_3 : vector<16xf32> to vector<1x16xf32>
    tpu.vector_store %arg5[%swap3A_448, %swap3A_449], %swap3A_452 {strides = array<i32>} : memref<80x16xf32, #tpu.memory_space<vmem>>, vector<1x16xf32>,
    %swap3A_453 = arith.constant 75 : i32
    %swap3A_454 = arith.index_cast %swap3A_453 : i32 to index
    %swap3A_455 = arith.constant 0 : index
    %swap3A_456 = tpu.vector_load %arg5[%swap3A_454, %swap3A_455] {strides = array<i32>} : memref<80x16xf32, #tpu.memory_space<vmem>>, vector<1x16xf32>,
    %swap3A_457 = vector.shape_cast %swap3A_456 : vector<1x16xf32> to vector<16xf32>
    %swap3A_458 = vector.shape_cast %broadcast_in_dim3A_3 : vector<16xf32> to vector<1x16xf32>
    tpu.vector_store %arg5[%swap3A_454, %swap3A_455], %swap3A_458 {strides = array<i32>} : memref<80x16xf32, #tpu.memory_space<vmem>>, vector<1x16xf32>,
    %swap3A_459 = arith.constant 76 : i32
    %swap3A_460 = arith.index_cast %swap3A_459 : i32 to index
    %swap3A_461 = arith.constant 0 : index
    %swap3A_462 = tpu.vector_load %arg5[%swap3A_460, %swap3A_461] {strides = array<i32>} : memref<80x16xf32, #tpu.memory_space<vmem>>, vector<1x16xf32>,
    %swap3A_463 = vector.shape_cast %swap3A_462 : vector<1x16xf32> to vector<16xf32>
    %swap3A_464 = vector.shape_cast %broadcast_in_dim3A_3 : vector<16xf32> to vector<1x16xf32>
    tpu.vector_store %arg5[%swap3A_460, %swap3A_461], %swap3A_464 {strides = array<i32>} : memref<80x16xf32, #tpu.memory_space<vmem>>, vector<1x16xf32>,
    %swap3A_465 = arith.constant 77 : i32
    %swap3A_466 = arith.index_cast %swap3A_465 : i32 to index
    %swap3A_467 = arith.constant 0 : index
    %swap3A_468 = tpu.vector_load %arg5[%swap3A_466, %swap3A_467] {strides = array<i32>} : memref<80x16xf32, #tpu.memory_space<vmem>>, vector<1x16xf32>,
    %swap3A_469 = vector.shape_cast %swap3A_468 : vector<1x16xf32> to vector<16xf32>
    %swap3A_470 = vector.shape_cast %broadcast_in_dim3A_3 : vector<16xf32> to vector<1x16xf32>
    tpu.vector_store %arg5[%swap3A_466, %swap3A_467], %swap3A_470 {strides = array<i32>} : memref<80x16xf32, #tpu.memory_space<vmem>>, vector<1x16xf32>,
    %swap3A_471 = arith.constant 78 : i32
    %swap3A_472 = arith.index_cast %swap3A_471 : i32 to index
    %swap3A_473 = arith.constant 0 : index
    %swap3A_474 = tpu.vector_load %arg5[%swap3A_472, %swap3A_473] {strides = array<i32>} : memref<80x16xf32, #tpu.memory_space<vmem>>, vector<1x16xf32>,
    %swap3A_475 = vector.shape_cast %swap3A_474 : vector<1x16xf32> to vector<16xf32>
    %swap3A_476 = vector.shape_cast %broadcast_in_dim3A_3 : vector<16xf32> to vector<1x16xf32>
    tpu.vector_store %arg5[%swap3A_472, %swap3A_473], %swap3A_476 {strides = array<i32>} : memref<80x16xf32, #tpu.memory_space<vmem>>, vector<1x16xf32>,
    %swap3A_477 = arith.constant 79 : i32
    %swap3A_478 = arith.index_cast %swap3A_477 : i32 to index
    %swap3A_479 = arith.constant 0 : index
    %swap3A_480 = tpu.vector_load %arg5[%swap3A_478, %swap3A_479] {strides = array<i32>} : memref<80x16xf32, #tpu.memory_space<vmem>>, vector<1x16xf32>,
    %swap3A_481 = vector.shape_cast %swap3A_480 : vector<1x16xf32> to vector<16xf32>
    %swap3A_482 = vector.shape_cast %broadcast_in_dim3A_3 : vector<16xf32> to vector<1x16xf32>
    tpu.vector_store %arg5[%swap3A_478, %swap3A_479], %swap3A_482 {strides = array<i32>} : memref<80x16xf32, #tpu.memory_space<vmem>>, vector<1x16xf32>,
    %swap3A_483 = arith.constant 0 : i32
    %swap3A_484 = arith.index_cast %swap3A_483 : i32 to index
    %swap3A_485 = arith.constant 0 : index
    %swap3A_486 = tpu.vector_load %arg6[%swap3A_484, %swap3A_485] {strides = array<i32>} : memref<16x16xf32, #tpu.memory_space<vmem>>, vector<1x16xf32>,
    %swap3A_487 = vector.shape_cast %swap3A_486 : vector<1x16xf32> to vector<16xf32>
    %swap3A_488 = vector.shape_cast %broadcast_in_dim3A_1 : vector<16xf32> to vector<1x16xf32>
    tpu.vector_store %arg6[%swap3A_484, %swap3A_485], %swap3A_488 {strides = array<i32>} : memref<16x16xf32, #tpu.memory_space<vmem>>, vector<1x16xf32>,
    %swap3A_489 = arith.constant 1 : i32
    %swap3A_490 = arith.index_cast %swap3A_489 : i32 to index
    %swap3A_491 = arith.constant 0 : index
    %swap3A_492 = tpu.vector_load %arg6[%swap3A_490, %swap3A_491] {strides = array<i32>} : memref<16x16xf32, #tpu.memory_space<vmem>>, vector<1x16xf32>,
    %swap3A_493 = vector.shape_cast %swap3A_492 : vector<1x16xf32> to vector<16xf32>
    %swap3A_494 = vector.shape_cast %broadcast_in_dim3A_1 : vector<16xf32> to vector<1x16xf32>
    tpu.vector_store %arg6[%swap3A_490, %swap3A_491], %swap3A_494 {strides = array<i32>} : memref<16x16xf32, #tpu.memory_space<vmem>>, vector<1x16xf32>,
    %swap3A_495 = arith.constant 2 : i32
    %swap3A_496 = arith.index_cast %swap3A_495 : i32 to index
    %swap3A_497 = arith.constant 0 : index
    %swap3A_498 = tpu.vector_load %arg6[%swap3A_496, %swap3A_497] {strides = array<i32>} : memref<16x16xf32, #tpu.memory_space<vmem>>, vector<1x16xf32>,
    %swap3A_499 = vector.shape_cast %swap3A_498 : vector<1x16xf32> to vector<16xf32>
    %swap3A_500 = vector.shape_cast %broadcast_in_dim3A_1 : vector<16xf32> to vector<1x16xf32>
    tpu.vector_store %arg6[%swap3A_496, %swap3A_497], %swap3A_500 {strides = array<i32>} : memref<16x16xf32, #tpu.memory_space<vmem>>, vector<1x16xf32>,
    %swap3A_501 = arith.constant 3 : i32
    %swap3A_502 = arith.index_cast %swap3A_501 : i32 to index
    %swap3A_503 = arith.constant 0 : index
    %swap3A_504 = tpu.vector_load %arg6[%swap3A_502, %swap3A_503] {strides = array<i32>} : memref<16x16xf32, #tpu.memory_space<vmem>>, vector<1x16xf32>,
    %swap3A_505 = vector.shape_cast %swap3A_504 : vector<1x16xf32> to vector<16xf32>
    %swap3A_506 = vector.shape_cast %broadcast_in_dim3A_1 : vector<16xf32> to vector<1x16xf32>
    tpu.vector_store %arg6[%swap3A_502, %swap3A_503], %swap3A_506 {strides = array<i32>} : memref<16x16xf32, #tpu.memory_space<vmem>>, vector<1x16xf32>,
    %swap3A_507 = arith.constant 4 : i32
    %swap3A_508 = arith.index_cast %swap3A_507 : i32 to index
    %swap3A_509 = arith.constant 0 : index
    %swap3A_510 = tpu.vector_load %arg6[%swap3A_508, %swap3A_509] {strides = array<i32>} : memref<16x16xf32, #tpu.memory_space<vmem>>, vector<1x16xf32>,
    %swap3A_511 = vector.shape_cast %swap3A_510 : vector<1x16xf32> to vector<16xf32>
    %swap3A_512 = vector.shape_cast %broadcast_in_dim3A_1 : vector<16xf32> to vector<1x16xf32>
    tpu.vector_store %arg6[%swap3A_508, %swap3A_509], %swap3A_512 {strides = array<i32>} : memref<16x16xf32, #tpu.memory_space<vmem>>, vector<1x16xf32>,
    %swap3A_513 = arith.constant 5 : i32
    %swap3A_514 = arith.index_cast %swap3A_513 : i32 to index
    %swap3A_515 = arith.constant 0 : index
    %swap3A_516 = tpu.vector_load %arg6[%swap3A_514, %swap3A_515] {strides = array<i32>} : memref<16x16xf32, #tpu.memory_space<vmem>>, vector<1x16xf32>,
    %swap3A_517 = vector.shape_cast %swap3A_516 : vector<1x16xf32> to vector<16xf32>
    %swap3A_518 = vector.shape_cast %broadcast_in_dim3A_1 : vector<16xf32> to vector<1x16xf32>
    tpu.vector_store %arg6[%swap3A_514, %swap3A_515], %swap3A_518 {strides = array<i32>} : memref<16x16xf32, #tpu.memory_space<vmem>>, vector<1x16xf32>,
    %swap3A_519 = arith.constant 6 : i32
    %swap3A_520 = arith.index_cast %swap3A_519 : i32 to index
    %swap3A_521 = arith.constant 0 : index
    %swap3A_522 = tpu.vector_load %arg6[%swap3A_520, %swap3A_521] {strides = array<i32>} : memref<16x16xf32, #tpu.memory_space<vmem>>, vector<1x16xf32>,
    %swap3A_523 = vector.shape_cast %swap3A_522 : vector<1x16xf32> to vector<16xf32>
    %swap3A_524 = vector.shape_cast %broadcast_in_dim3A_1 : vector<16xf32> to vector<1x16xf32>
    tpu.vector_store %arg6[%swap3A_520, %swap3A_521], %swap3A_524 {strides = array<i32>} : memref<16x16xf32, #tpu.memory_space<vmem>>, vector<1x16xf32>,
    %swap3A_525 = arith.constant 7 : i32
    %swap3A_526 = arith.index_cast %swap3A_525 : i32 to index
    %swap3A_527 = arith.constant 0 : index
    %swap3A_528 = tpu.vector_load %arg6[%swap3A_526, %swap3A_527] {strides = array<i32>} : memref<16x16xf32, #tpu.memory_space<vmem>>, vector<1x16xf32>,
    %swap3A_529 = vector.shape_cast %swap3A_528 : vector<1x16xf32> to vector<16xf32>
    %swap3A_530 = vector.shape_cast %broadcast_in_dim3A_1 : vector<16xf32> to vector<1x16xf32>
    tpu.vector_store %arg6[%swap3A_526, %swap3A_527], %swap3A_530 {strides = array<i32>} : memref<16x16xf32, #tpu.memory_space<vmem>>, vector<1x16xf32>,
    %swap3A_531 = arith.constant 8 : i32
    %swap3A_532 = arith.index_cast %swap3A_531 : i32 to index
    %swap3A_533 = arith.constant 0 : index
    %swap3A_534 = tpu.vector_load %arg6[%swap3A_532, %swap3A_533] {strides = array<i32>} : memref<16x16xf32, #tpu.memory_space<vmem>>, vector<1x16xf32>,
    %swap3A_535 = vector.shape_cast %swap3A_534 : vector<1x16xf32> to vector<16xf32>
    %swap3A_536 = vector.shape_cast %broadcast_in_dim3A_1 : vector<16xf32> to vector<1x16xf32>
    tpu.vector_store %arg6[%swap3A_532, %swap3A_533], %swap3A_536 {strides = array<i32>} : memref<16x16xf32, #tpu.memory_space<vmem>>, vector<1x16xf32>,
    %swap3A_537 = arith.constant 9 : i32
    %swap3A_538 = arith.index_cast %swap3A_537 : i32 to index
    %swap3A_539 = arith.constant 0 : index
    %swap3A_540 = tpu.vector_load %arg6[%swap3A_538, %swap3A_539] {strides = array<i32>} : memref<16x16xf32, #tpu.memory_space<vmem>>, vector<1x16xf32>,
    %swap3A_541 = vector.shape_cast %swap3A_540 : vector<1x16xf32> to vector<16xf32>
    %swap3A_542 = vector.shape_cast %broadcast_in_dim3A_1 : vector<16xf32> to vector<1x16xf32>
    tpu.vector_store %arg6[%swap3A_538, %swap3A_539], %swap3A_542 {strides = array<i32>} : memref<16x16xf32, #tpu.memory_space<vmem>>, vector<1x16xf32>,
    %swap3A_543 = arith.constant 10 : i32
    %swap3A_544 = arith.index_cast %swap3A_543 : i32 to index
    %swap3A_545 = arith.constant 0 : index
    %swap3A_546 = tpu.vector_load %arg6[%swap3A_544, %swap3A_545] {strides = array<i32>} : memref<16x16xf32, #tpu.memory_space<vmem>>, vector<1x16xf32>,
    %swap3A_547 = vector.shape_cast %swap3A_546 : vector<1x16xf32> to vector<16xf32>
    %swap3A_548 = vector.shape_cast %broadcast_in_dim3A_1 : vector<16xf32> to vector<1x16xf32>
    tpu.vector_store %arg6[%swap3A_544, %swap3A_545], %swap3A_548 {strides = array<i32>} : memref<16x16xf32, #tpu.memory_space<vmem>>, vector<1x16xf32>,
    %swap3A_549 = arith.constant 11 : i32
    %swap3A_550 = arith.index_cast %swap3A_549 : i32 to index
    %swap3A_551 = arith.constant 0 : index
    %swap3A_552 = tpu.vector_load %arg6[%swap3A_550, %swap3A_551] {strides = array<i32>} : memref<16x16xf32, #tpu.memory_space<vmem>>, vector<1x16xf32>,
    %swap3A_553 = vector.shape_cast %swap3A_552 : vector<1x16xf32> to vector<16xf32>
    %swap3A_554 = vector.shape_cast %broadcast_in_dim3A_1 : vector<16xf32> to vector<1x16xf32>
    tpu.vector_store %arg6[%swap3A_550, %swap3A_551], %swap3A_554 {strides = array<i32>} : memref<16x16xf32, #tpu.memory_space<vmem>>, vector<1x16xf32>,
    %swap3A_555 = arith.constant 12 : i32
    %swap3A_556 = arith.index_cast %swap3A_555 : i32 to index
    %swap3A_557 = arith.constant 0 : index
    %swap3A_558 = tpu.vector_load %arg6[%swap3A_556, %swap3A_557] {strides = array<i32>} : memref<16x16xf32, #tpu.memory_space<vmem>>, vector<1x16xf32>,
    %swap3A_559 = vector.shape_cast %swap3A_558 : vector<1x16xf32> to vector<16xf32>
    %swap3A_560 = vector.shape_cast %broadcast_in_dim3A_1 : vector<16xf32> to vector<1x16xf32>
    tpu.vector_store %arg6[%swap3A_556, %swap3A_557], %swap3A_560 {strides = array<i32>} : memref<16x16xf32, #tpu.memory_space<vmem>>, vector<1x16xf32>,
    %swap3A_561 = arith.constant 13 : i32
    %swap3A_562 = arith.index_cast %swap3A_561 : i32 to index
    %swap3A_563 = arith.constant 0 : index
    %swap3A_564 = tpu.vector_load %arg6[%swap3A_562, %swap3A_563] {strides = array<i32>} : memref<16x16xf32, #tpu.memory_space<vmem>>, vector<1x16xf32>,
    %swap3A_565 = vector.shape_cast %swap3A_564 : vector<1x16xf32> to vector<16xf32>
    %swap3A_566 = vector.shape_cast %broadcast_in_dim3A_1 : vector<16xf32> to vector<1x16xf32>
    tpu.vector_store %arg6[%swap3A_562, %swap3A_563], %swap3A_566 {strides = array<i32>} : memref<16x16xf32, #tpu.memory_space<vmem>>, vector<1x16xf32>,
    %swap3A_567 = arith.constant 14 : i32
    %swap3A_568 = arith.index_cast %swap3A_567 : i32 to index
    %swap3A_569 = arith.constant 0 : index
    %swap3A_570 = tpu.vector_load %arg6[%swap3A_568, %swap3A_569] {strides = array<i32>} : memref<16x16xf32, #tpu.memory_space<vmem>>, vector<1x16xf32>,
    %swap3A_571 = vector.shape_cast %swap3A_570 : vector<1x16xf32> to vector<16xf32>
    %swap3A_572 = vector.shape_cast %broadcast_in_dim3A_1 : vector<16xf32> to vector<1x16xf32>
    tpu.vector_store %arg6[%swap3A_568, %swap3A_569], %swap3A_572 {strides = array<i32>} : memref<16x16xf32, #tpu.memory_space<vmem>>, vector<1x16xf32>,
    %swap3A_573 = arith.constant 15 : i32
    %swap3A_574 = arith.index_cast %swap3A_573 : i32 to index
    %swap3A_575 = arith.constant 0 : index
    %swap3A_576 = tpu.vector_load %arg6[%swap3A_574, %swap3A_575] {strides = array<i32>} : memref<16x16xf32, #tpu.memory_space<vmem>>, vector<1x16xf32>,
    %swap3A_577 = vector.shape_cast %swap3A_576 : vector<1x16xf32> to vector<16xf32>
    %swap3A_578 = vector.shape_cast %broadcast_in_dim3A_1 : vector<16xf32> to vector<1x16xf32>
    tpu.vector_store %arg6[%swap3A_574, %swap3A_575], %swap3A_578 {strides = array<i32>} : memref<16x16xf32, #tpu.memory_space<vmem>>, vector<1x16xf32>,
    %scan3A = arith.constant 0 : i32
    %scan3A_579 = arith.constant 0 : i32
    %scan3A_580 = arith.constant 40 : i32
    %scan3A_581 = arith.addi %scan3A_579, %scan3A_580 : i32
    %scan3A_582 = arith.constant 1 : i32
    scf.for %scan3A_595 = %scan3A_579 to %scan3A_581 step %scan3A_582  : i32 {
      %mul3A_596 = arith.constant 640 : i32
      %mul3A_597 = arith.muli %arg1, %mul3A_596 : i32
      %mul3A_598 = arith.constant 16 : i32
      %mul3A_599 = arith.muli %scan3A_595, %mul3A_598 : i32
      %add3A_600 = arith.addi %mul3A_597, %mul3A_599 : i32
      "tpu.region"() ({
        %run_scoped3A = tpu.sem_alloc : memref<!tpu.dma_semaphore, #tpu.memory_space<semaphore_mem>>
        %dma_start3A = arith.constant 0 : i32
        %dma_start3A_601 = tpu.memref_slice %arg7[%add3A_600, %dma_start3A] : memref<10240x16xf32, #tpu.memory_space<vmem_shared>> -> memref<16x16xf32, #tpu.memory_space<vmem_shared>>
        %dma_start3A_602 = arith.constant 0 : i32
        %dma_start3A_603 = tpu.memref_slice %arg7[%add3A_600, %dma_start3A_602] : memref<10240x16xf32, #tpu.memory_space<vmem_shared>> -> memref<16x16xf32, #tpu.memory_space<vmem_shared>>
        tpu.enqueue_dma source(%arg6 : memref<16x16xf32, #tpu.memory_space<vmem>>) target(%dma_start3A_603 : memref<16x16xf32, #tpu.memory_space<vmem_shared>>) target_semaphore(%run_scoped3A : memref<!tpu.dma_semaphore, #tpu.memory_space<semaphore_mem>>)
        %dma_wait3A = arith.constant 0 : i32
        %dma_wait3A_604 = tpu.memref_slice %arg7[%add3A_600, %dma_wait3A] : memref<10240x16xf32, #tpu.memory_space<vmem_shared>> -> memref<16x16xf32, #tpu.memory_space<vmem_shared>>
        %dma_wait3A_605 = arith.constant 0 : i32
        %dma_wait3A_606 = tpu.memref_slice %arg7[%add3A_600, %dma_wait3A_605] : memref<10240x16xf32, #tpu.memory_space<vmem_shared>> -> memref<16x16xf32, #tpu.memory_space<vmem_shared>>
        tpu.wait_dma2 semaphore(%run_scoped3A : memref<!tpu.dma_semaphore, #tpu.memory_space<semaphore_mem>>) src(%arg6 : memref<16x16xf32, #tpu.memory_space<vmem>>) dst(%dma_wait3A_606 : memref<16x16xf32, #tpu.memory_space<vmem_shared>>)
        tpu.yield
      }) : () -> ()
    }
    %scan3A_583 = arith.constant 40 : i32
    %barrier3A = arith.constant 0 : index
    tpu.barrier barrier_id(%barrier3A)
    "tpu.region"() ({
      %run_scoped3A = tpu.sem_alloc : memref<!tpu.dma_semaphore, #tpu.memory_space<semaphore_mem>>
      %dma_start3A = arith.constant 0 : i32
      %dma_start3A_595 = arith.constant 0 : i32
      %dma_start3A_596 = tpu.memref_slice %arg2[%add3A, %dma_start3A, %dma_start3A_595] : memref<32x125x80xi32, #tpu.memory_space<hbm>> -> memref<1x125x80xi32, #tpu.memory_space<hbm>>
      %dma_start3A_597 = tpu.memref_squeeze %dma_start3A_596 : memref<1x125x80xi32, #tpu.memory_space<hbm>> -> memref<125x80xi32, #tpu.memory_space<hbm>>
      %dma_start3A_598 = arith.constant 0 : i32
      %dma_start3A_599 = arith.constant 0 : i32
      %dma_start3A_600 = tpu.memref_slice %arg2[%add3A, %dma_start3A_598, %dma_start3A_599] : memref<32x125x80xi32, #tpu.memory_space<hbm>> -> memref<1x125x80xi32, #tpu.memory_space<hbm>>
      %dma_start3A_601 = tpu.memref_squeeze %dma_start3A_600 : memref<1x125x80xi32, #tpu.memory_space<hbm>> -> memref<125x80xi32, #tpu.memory_space<hbm>>
      tpu.enqueue_dma source(%dma_start3A_601 : memref<125x80xi32, #tpu.memory_space<hbm>>) target(%arg4 : memref<125x80xi32, #tpu.memory_space<vmem>>) target_semaphore(%run_scoped3A : memref<!tpu.dma_semaphore, #tpu.memory_space<semaphore_mem>>)
      %dma_wait3A = arith.constant 0 : i32
      %dma_wait3A_602 = arith.constant 0 : i32
      %dma_wait3A_603 = tpu.memref_slice %arg2[%add3A, %dma_wait3A, %dma_wait3A_602] : memref<32x125x80xi32, #tpu.memory_space<hbm>> -> memref<1x125x80xi32, #tpu.memory_space<hbm>>
      %dma_wait3A_604 = tpu.memref_squeeze %dma_wait3A_603 : memref<1x125x80xi32, #tpu.memory_space<hbm>> -> memref<125x80xi32, #tpu.memory_space<hbm>>
      %dma_wait3A_605 = arith.constant 0 : i32
      %dma_wait3A_606 = arith.constant 0 : i32
      %dma_wait3A_607 = tpu.memref_slice %arg2[%add3A, %dma_wait3A_605, %dma_wait3A_606] : memref<32x125x80xi32, #tpu.memory_space<hbm>> -> memref<1x125x80xi32, #tpu.memory_space<hbm>>
      %dma_wait3A_608 = tpu.memref_squeeze %dma_wait3A_607 : memref<1x125x80xi32, #tpu.memory_space<hbm>> -> memref<125x80xi32, #tpu.memory_space<hbm>>
      tpu.wait_dma2 semaphore(%run_scoped3A : memref<!tpu.dma_semaphore, #tpu.memory_space<semaphore_mem>>) src(%dma_wait3A_608 : memref<125x80xi32, #tpu.memory_space<hbm>>) dst(%arg4 : memref<125x80xi32, #tpu.memory_space<vmem>>)
      tpu.yield
    }) : () -> ()
    %scan3A_584 = arith.constant 0 : i32
    %scan3A_585 = arith.constant 0 : i32
    %scan3A_586 = arith.constant 125 : i32
    %scan3A_587 = arith.addi %scan3A_585, %scan3A_586 : i32
    %scan3A_588 = arith.constant 1 : i32
    scf.for %scan3A_595 = %scan3A_585 to %scan3A_587 step %scan3A_588  : i32 {
      "tpu.region"() ({
        %run_scoped3A = tpu.sem_alloc : memref<!tpu.dma_semaphore, #tpu.memory_space<semaphore_mem>>
        %dma_start3A = arith.constant 0 : i32
        %dma_start3A_596 = tpu.memref_slice %arg4[%scan3A_595, %dma_start3A] : memref<125x80xi32, #tpu.memory_space<vmem>> -> memref<1x80xi32, #tpu.memory_space<vmem>>
        %dma_start3A_597 = tpu.memref_squeeze %dma_start3A_596 : memref<1x80xi32, #tpu.memory_space<vmem>> -> memref<80xi32, #tpu.memory_space<vmem>>
        %dma_start3A_598 = arith.constant 0 : i32
        %dma_start3A_599 = arith.constant 0 : i32
        %dma_start3A_600 = tpu.memref_slice %arg7[%dma_start3A_598, %dma_start3A_599] : memref<10240x16xf32, #tpu.memory_space<vmem_shared>> -> memref<10240x16xf32, #tpu.memory_space<vmem_shared>>
        tpu.enqueue_indirect_dma source(%arg5 : memref<80x16xf32, #tpu.memory_space<vmem>>) target(%dma_start3A_600 : memref<10240x16xf32, #tpu.memory_space<vmem_shared>>) offsets(%dma_start3A_597 : memref<80xi32, #tpu.memory_space<vmem>>) semaphore(%run_scoped3A : memref<!tpu.dma_semaphore, #tpu.memory_space<semaphore_mem>>) {add = true}
        %dma_wait3A = arith.constant 0 : i32
        %dma_wait3A_601 = tpu.memref_slice %arg4[%scan3A_595, %dma_wait3A] : memref<125x80xi32, #tpu.memory_space<vmem>> -> memref<1x80xi32, #tpu.memory_space<vmem>>
        %dma_wait3A_602 = tpu.memref_squeeze %dma_wait3A_601 : memref<1x80xi32, #tpu.memory_space<vmem>> -> memref<80xi32, #tpu.memory_space<vmem>>
        %dma_wait3A_603 = arith.constant 0 : i32
        %dma_wait3A_604 = arith.constant 0 : i32
        %dma_wait3A_605 = tpu.memref_slice %arg7[%dma_wait3A_603, %dma_wait3A_604] : memref<10240x16xf32, #tpu.memory_space<vmem_shared>> -> memref<10240x16xf32, #tpu.memory_space<vmem_shared>>
        tpu.wait_indirect_dma semaphore(%run_scoped3A : memref<!tpu.dma_semaphore, #tpu.memory_space<semaphore_mem>>) src(%arg5 : memref<80x16xf32, #tpu.memory_space<vmem>>) dst(%dma_wait3A_605 : memref<10240x16xf32, #tpu.memory_space<vmem_shared>>)
        tpu.yield
      }) : () -> ()
    }
    %scan3A_589 = arith.constant 125 : i32
    %barrier3A_590 = arith.constant 0 : index
    tpu.barrier barrier_id(%barrier3A_590)
    %mul3A_591 = arith.constant 640 : i32
    %mul3A_592 = arith.muli %arg1, %mul3A_591 : i32
    %mul3A_593 = arith.constant 640 : i32
    %mul3A_594 = arith.muli %arg1, %mul3A_593 : i32
    "tpu.region"() ({
      %run_scoped3A = tpu.sem_alloc : memref<!tpu.dma_semaphore, #tpu.memory_space<semaphore_mem>>
      %dma_start3A = arith.constant 0 : i32
      %dma_start3A_595 = tpu.memref_slice %arg3[%arg0, %mul3A_594, %dma_start3A] : memref<2x10240x16xf32, #tpu.memory_space<hbm>> -> memref<1x640x16xf32, #tpu.memory_space<hbm>>
      %dma_start3A_596 = tpu.memref_squeeze %dma_start3A_595 : memref<1x640x16xf32, #tpu.memory_space<hbm>> -> memref<640x16xf32, #tpu.memory_space<hbm>>
      %dma_start3A_597 = arith.constant 0 : i32
      %dma_start3A_598 = tpu.memref_slice %arg7[%mul3A_592, %dma_start3A_597] : memref<10240x16xf32, #tpu.memory_space<vmem_shared>> -> memref<640x16xf32, #tpu.memory_space<vmem_shared>>
      tpu.enqueue_dma source(%dma_start3A_598 : memref<640x16xf32, #tpu.memory_space<vmem_shared>>) target(%dma_start3A_596 : memref<640x16xf32, #tpu.memory_space<hbm>>) target_semaphore(%run_scoped3A : memref<!tpu.dma_semaphore, #tpu.memory_space<semaphore_mem>>)
      %dma_wait3A = arith.constant 0 : i32
      %dma_wait3A_599 = tpu.memref_slice %arg3[%arg0, %mul3A_594, %dma_wait3A] : memref<2x10240x16xf32, #tpu.memory_space<hbm>> -> memref<1x640x16xf32, #tpu.memory_space<hbm>>
      %dma_wait3A_600 = tpu.memref_squeeze %dma_wait3A_599 : memref<1x640x16xf32, #tpu.memory_space<hbm>> -> memref<640x16xf32, #tpu.memory_space<hbm>>
      %dma_wait3A_601 = arith.constant 0 : i32
      %dma_wait3A_602 = tpu.memref_slice %arg7[%mul3A_592, %dma_wait3A_601] : memref<10240x16xf32, #tpu.memory_space<vmem_shared>> -> memref<640x16xf32, #tpu.memory_space<vmem_shared>>
      tpu.wait_dma2 semaphore(%run_scoped3A : memref<!tpu.dma_semaphore, #tpu.memory_space<semaphore_mem>>) src(%dma_wait3A_602 : memref<640x16xf32, #tpu.memory_space<vmem_shared>>) dst(%dma_wait3A_600 : memref<640x16xf32, #tpu.memory_space<hbm>>)
      tpu.yield
    }) : () -> ()
    return
  }
}

#map = affine_map<(d0, d1) -> (0, 0)>
#map1 = affine_map<(d0, d1) -> (0, 0, 0)>
module attributes {stable_mosaic.version = 14 : i64} {
  func.func @_agg_kernel(%arg0: i32, %arg1: i32, %arg2: memref<10240x128xf32, #tpu.memory_space<hbm>>, %arg3: memref<32x125x80xi32, #tpu.memory_space<hbm>>, %arg4: memref<32x125x80xi32, #tpu.memory_space<hbm>>, %arg5: memref<2x10240x128xf32, #tpu.memory_space<hbm>>, %arg6: memref<125x80xi32, #tpu.memory_space<vmem>>, %arg7: memref<125x80xi32, #tpu.memory_space<vmem>>, %arg8: memref<80x128xf32, #tpu.memory_space<vmem>>, %arg9: memref<16x128xf32, #tpu.memory_space<vmem>>, %arg10: memref<10240x128xf32, #tpu.memory_space<vmem_shared>>) attributes {dimension_semantics = [#tpu.dimension_semantics<core_parallel>, #tpu.dimension_semantics<subcore_parallel>], iteration_bounds = array<i64: 2, 16>, scalar_prefetch = 0 : i64, scratch_operands = 5 : i64, tpu.core_type = #tpu.core_type<sc_vector_subcore>, window_params = [{transform_indices = #map}, {transform_indices = #map1}, {transform_indices = #map1}, {transform_indices = #map1}]} {
    %mul3A = arith.constant 2 : i32
    %mul3A_0 = arith.muli %arg1, %mul3A : i32
    %add3A = arith.addi %mul3A_0, %arg0 : i32
    %broadcast_in_dim3A = arith.constant 0.000000e+00 : f32
    %broadcast_in_dim3A_1 = vector.broadcast %broadcast_in_dim3A : f32 to vector<16xf32>
    %scan3A = arith.constant 0 : i32
    %scan3A_2 = arith.constant 0 : i32
    %scan3A_3 = arith.constant 16 : i32
    %scan3A_4 = arith.addi %scan3A_2, %scan3A_3 : i32
    %scan3A_5 = arith.constant 1 : i32
    scf.for %scan3A_24 = %scan3A_2 to %scan3A_4 step %scan3A_5  : i32 {
      %swap3A = arith.index_cast %scan3A_24 : i32 to index
      %swap3A_25 = arith.constant 0 : index
      %swap3A_26 = tpu.vector_load %arg9[%swap3A, %swap3A_25] {strides = array<i32>} : memref<16x128xf32, #tpu.memory_space<vmem>>, vector<1x16xf32>,
      %swap3A_27 = vector.shape_cast %swap3A_26 : vector<1x16xf32> to vector<16xf32>
      %swap3A_28 = vector.shape_cast %broadcast_in_dim3A_1 : vector<16xf32> to vector<1x16xf32>
      tpu.vector_store %arg9[%swap3A, %swap3A_25], %swap3A_28 {strides = array<i32>} : memref<16x128xf32, #tpu.memory_space<vmem>>, vector<1x16xf32>,
      %swap3A_29 = arith.index_cast %scan3A_24 : i32 to index
      %swap3A_30 = arith.constant 16 : index
      %swap3A_31 = tpu.vector_load %arg9[%swap3A_29, %swap3A_30] {strides = array<i32>} : memref<16x128xf32, #tpu.memory_space<vmem>>, vector<1x16xf32>,
      %swap3A_32 = vector.shape_cast %swap3A_31 : vector<1x16xf32> to vector<16xf32>
      %swap3A_33 = vector.shape_cast %broadcast_in_dim3A_1 : vector<16xf32> to vector<1x16xf32>
      tpu.vector_store %arg9[%swap3A_29, %swap3A_30], %swap3A_33 {strides = array<i32>} : memref<16x128xf32, #tpu.memory_space<vmem>>, vector<1x16xf32>,
      %swap3A_34 = arith.index_cast %scan3A_24 : i32 to index
      %swap3A_35 = arith.constant 32 : index
      %swap3A_36 = tpu.vector_load %arg9[%swap3A_34, %swap3A_35] {strides = array<i32>} : memref<16x128xf32, #tpu.memory_space<vmem>>, vector<1x16xf32>,
      %swap3A_37 = vector.shape_cast %swap3A_36 : vector<1x16xf32> to vector<16xf32>
      %swap3A_38 = vector.shape_cast %broadcast_in_dim3A_1 : vector<16xf32> to vector<1x16xf32>
      tpu.vector_store %arg9[%swap3A_34, %swap3A_35], %swap3A_38 {strides = array<i32>} : memref<16x128xf32, #tpu.memory_space<vmem>>, vector<1x16xf32>,
      %swap3A_39 = arith.index_cast %scan3A_24 : i32 to index
      %swap3A_40 = arith.constant 48 : index
      %swap3A_41 = tpu.vector_load %arg9[%swap3A_39, %swap3A_40] {strides = array<i32>} : memref<16x128xf32, #tpu.memory_space<vmem>>, vector<1x16xf32>,
      %swap3A_42 = vector.shape_cast %swap3A_41 : vector<1x16xf32> to vector<16xf32>
      %swap3A_43 = vector.shape_cast %broadcast_in_dim3A_1 : vector<16xf32> to vector<1x16xf32>
      tpu.vector_store %arg9[%swap3A_39, %swap3A_40], %swap3A_43 {strides = array<i32>} : memref<16x128xf32, #tpu.memory_space<vmem>>, vector<1x16xf32>,
      %swap3A_44 = arith.index_cast %scan3A_24 : i32 to index
      %swap3A_45 = arith.constant 64 : index
      %swap3A_46 = tpu.vector_load %arg9[%swap3A_44, %swap3A_45] {strides = array<i32>} : memref<16x128xf32, #tpu.memory_space<vmem>>, vector<1x16xf32>,
      %swap3A_47 = vector.shape_cast %swap3A_46 : vector<1x16xf32> to vector<16xf32>
      %swap3A_48 = vector.shape_cast %broadcast_in_dim3A_1 : vector<16xf32> to vector<1x16xf32>
      tpu.vector_store %arg9[%swap3A_44, %swap3A_45], %swap3A_48 {strides = array<i32>} : memref<16x128xf32, #tpu.memory_space<vmem>>, vector<1x16xf32>,
      %swap3A_49 = arith.index_cast %scan3A_24 : i32 to index
      %swap3A_50 = arith.constant 80 : index
      %swap3A_51 = tpu.vector_load %arg9[%swap3A_49, %swap3A_50] {strides = array<i32>} : memref<16x128xf32, #tpu.memory_space<vmem>>, vector<1x16xf32>,
      %swap3A_52 = vector.shape_cast %swap3A_51 : vector<1x16xf32> to vector<16xf32>
      %swap3A_53 = vector.shape_cast %broadcast_in_dim3A_1 : vector<16xf32> to vector<1x16xf32>
      tpu.vector_store %arg9[%swap3A_49, %swap3A_50], %swap3A_53 {strides = array<i32>} : memref<16x128xf32, #tpu.memory_space<vmem>>, vector<1x16xf32>,
      %swap3A_54 = arith.index_cast %scan3A_24 : i32 to index
      %swap3A_55 = arith.constant 96 : index
      %swap3A_56 = tpu.vector_load %arg9[%swap3A_54, %swap3A_55] {strides = array<i32>} : memref<16x128xf32, #tpu.memory_space<vmem>>, vector<1x16xf32>,
      %swap3A_57 = vector.shape_cast %swap3A_56 : vector<1x16xf32> to vector<16xf32>
      %swap3A_58 = vector.shape_cast %broadcast_in_dim3A_1 : vector<16xf32> to vector<1x16xf32>
      tpu.vector_store %arg9[%swap3A_54, %swap3A_55], %swap3A_58 {strides = array<i32>} : memref<16x128xf32, #tpu.memory_space<vmem>>, vector<1x16xf32>,
      %swap3A_59 = arith.index_cast %scan3A_24 : i32 to index
      %swap3A_60 = arith.constant 112 : index
      %swap3A_61 = tpu.vector_load %arg9[%swap3A_59, %swap3A_60] {strides = array<i32>} : memref<16x128xf32, #tpu.memory_space<vmem>>, vector<1x16xf32>,
      %swap3A_62 = vector.shape_cast %swap3A_61 : vector<1x16xf32> to vector<16xf32>
      %swap3A_63 = vector.shape_cast %broadcast_in_dim3A_1 : vector<16xf32> to vector<1x16xf32>
      tpu.vector_store %arg9[%swap3A_59, %swap3A_60], %swap3A_63 {strides = array<i32>} : memref<16x128xf32, #tpu.memory_space<vmem>>, vector<1x16xf32>,
    }
    %scan3A_6 = arith.constant 16 : i32
    %scan3A_7 = arith.constant 0 : i32
    %scan3A_8 = arith.constant 0 : i32
    %scan3A_9 = arith.constant 40 : i32
    %scan3A_10 = arith.addi %scan3A_8, %scan3A_9 : i32
    %scan3A_11 = arith.constant 1 : i32
    scf.for %scan3A_24 = %scan3A_8 to %scan3A_10 step %scan3A_11  : i32 {
      %mul3A_25 = arith.constant 640 : i32
      %mul3A_26 = arith.muli %arg1, %mul3A_25 : i32
      %mul3A_27 = arith.constant 16 : i32
      %mul3A_28 = arith.muli %scan3A_24, %mul3A_27 : i32
      %add3A_29 = arith.addi %mul3A_26, %mul3A_28 : i32
      "tpu.region"() ({
        %run_scoped3A = tpu.sem_alloc : memref<!tpu.dma_semaphore, #tpu.memory_space<semaphore_mem>>
        %dma_start3A = arith.constant 0 : i32
        %dma_start3A_30 = tpu.memref_slice %arg10[%add3A_29, %dma_start3A] : memref<10240x128xf32, #tpu.memory_space<vmem_shared>> -> memref<16x128xf32, #tpu.memory_space<vmem_shared>>
        %dma_start3A_31 = arith.constant 0 : i32
        %dma_start3A_32 = tpu.memref_slice %arg10[%add3A_29, %dma_start3A_31] : memref<10240x128xf32, #tpu.memory_space<vmem_shared>> -> memref<16x128xf32, #tpu.memory_space<vmem_shared>>
        tpu.enqueue_dma source(%arg9 : memref<16x128xf32, #tpu.memory_space<vmem>>) target(%dma_start3A_32 : memref<16x128xf32, #tpu.memory_space<vmem_shared>>) target_semaphore(%run_scoped3A : memref<!tpu.dma_semaphore, #tpu.memory_space<semaphore_mem>>)
        %dma_wait3A = arith.constant 0 : i32
        %dma_wait3A_33 = tpu.memref_slice %arg10[%add3A_29, %dma_wait3A] : memref<10240x128xf32, #tpu.memory_space<vmem_shared>> -> memref<16x128xf32, #tpu.memory_space<vmem_shared>>
        %dma_wait3A_34 = arith.constant 0 : i32
        %dma_wait3A_35 = tpu.memref_slice %arg10[%add3A_29, %dma_wait3A_34] : memref<10240x128xf32, #tpu.memory_space<vmem_shared>> -> memref<16x128xf32, #tpu.memory_space<vmem_shared>>
        tpu.wait_dma2 semaphore(%run_scoped3A : memref<!tpu.dma_semaphore, #tpu.memory_space<semaphore_mem>>) src(%arg9 : memref<16x128xf32, #tpu.memory_space<vmem>>) dst(%dma_wait3A_35 : memref<16x128xf32, #tpu.memory_space<vmem_shared>>)
        tpu.yield
      }) : () -> ()
    }
    %scan3A_12 = arith.constant 40 : i32
    %barrier3A = arith.constant 0 : index
    tpu.barrier barrier_id(%barrier3A)
    "tpu.region"() ({
      %run_scoped3A = tpu.sem_alloc : memref<!tpu.dma_semaphore, #tpu.memory_space<semaphore_mem>>
      %dma_start3A = arith.constant 0 : i32
      %dma_start3A_24 = arith.constant 0 : i32
      %dma_start3A_25 = tpu.memref_slice %arg3[%add3A, %dma_start3A, %dma_start3A_24] : memref<32x125x80xi32, #tpu.memory_space<hbm>> -> memref<1x125x80xi32, #tpu.memory_space<hbm>>
      %dma_start3A_26 = tpu.memref_squeeze %dma_start3A_25 : memref<1x125x80xi32, #tpu.memory_space<hbm>> -> memref<125x80xi32, #tpu.memory_space<hbm>>
      %dma_start3A_27 = arith.constant 0 : i32
      %dma_start3A_28 = arith.constant 0 : i32
      %dma_start3A_29 = tpu.memref_slice %arg3[%add3A, %dma_start3A_27, %dma_start3A_28] : memref<32x125x80xi32, #tpu.memory_space<hbm>> -> memref<1x125x80xi32, #tpu.memory_space<hbm>>
      %dma_start3A_30 = tpu.memref_squeeze %dma_start3A_29 : memref<1x125x80xi32, #tpu.memory_space<hbm>> -> memref<125x80xi32, #tpu.memory_space<hbm>>
      tpu.enqueue_dma source(%dma_start3A_30 : memref<125x80xi32, #tpu.memory_space<hbm>>) target(%arg6 : memref<125x80xi32, #tpu.memory_space<vmem>>) target_semaphore(%run_scoped3A : memref<!tpu.dma_semaphore, #tpu.memory_space<semaphore_mem>>)
      %dma_wait3A = arith.constant 0 : i32
      %dma_wait3A_31 = arith.constant 0 : i32
      %dma_wait3A_32 = tpu.memref_slice %arg3[%add3A, %dma_wait3A, %dma_wait3A_31] : memref<32x125x80xi32, #tpu.memory_space<hbm>> -> memref<1x125x80xi32, #tpu.memory_space<hbm>>
      %dma_wait3A_33 = tpu.memref_squeeze %dma_wait3A_32 : memref<1x125x80xi32, #tpu.memory_space<hbm>> -> memref<125x80xi32, #tpu.memory_space<hbm>>
      %dma_wait3A_34 = arith.constant 0 : i32
      %dma_wait3A_35 = arith.constant 0 : i32
      %dma_wait3A_36 = tpu.memref_slice %arg3[%add3A, %dma_wait3A_34, %dma_wait3A_35] : memref<32x125x80xi32, #tpu.memory_space<hbm>> -> memref<1x125x80xi32, #tpu.memory_space<hbm>>
      %dma_wait3A_37 = tpu.memref_squeeze %dma_wait3A_36 : memref<1x125x80xi32, #tpu.memory_space<hbm>> -> memref<125x80xi32, #tpu.memory_space<hbm>>
      tpu.wait_dma2 semaphore(%run_scoped3A : memref<!tpu.dma_semaphore, #tpu.memory_space<semaphore_mem>>) src(%dma_wait3A_37 : memref<125x80xi32, #tpu.memory_space<hbm>>) dst(%arg6 : memref<125x80xi32, #tpu.memory_space<vmem>>)
      tpu.yield
    }) : () -> ()
    "tpu.region"() ({
      %run_scoped3A = tpu.sem_alloc : memref<!tpu.dma_semaphore, #tpu.memory_space<semaphore_mem>>
      %dma_start3A = arith.constant 0 : i32
      %dma_start3A_24 = arith.constant 0 : i32
      %dma_start3A_25 = tpu.memref_slice %arg4[%add3A, %dma_start3A, %dma_start3A_24] : memref<32x125x80xi32, #tpu.memory_space<hbm>> -> memref<1x125x80xi32, #tpu.memory_space<hbm>>
      %dma_start3A_26 = tpu.memref_squeeze %dma_start3A_25 : memref<1x125x80xi32, #tpu.memory_space<hbm>> -> memref<125x80xi32, #tpu.memory_space<hbm>>
      %dma_start3A_27 = arith.constant 0 : i32
      %dma_start3A_28 = arith.constant 0 : i32
      %dma_start3A_29 = tpu.memref_slice %arg4[%add3A, %dma_start3A_27, %dma_start3A_28] : memref<32x125x80xi32, #tpu.memory_space<hbm>> -> memref<1x125x80xi32, #tpu.memory_space<hbm>>
      %dma_start3A_30 = tpu.memref_squeeze %dma_start3A_29 : memref<1x125x80xi32, #tpu.memory_space<hbm>> -> memref<125x80xi32, #tpu.memory_space<hbm>>
      tpu.enqueue_dma source(%dma_start3A_30 : memref<125x80xi32, #tpu.memory_space<hbm>>) target(%arg7 : memref<125x80xi32, #tpu.memory_space<vmem>>) target_semaphore(%run_scoped3A : memref<!tpu.dma_semaphore, #tpu.memory_space<semaphore_mem>>)
      %dma_wait3A = arith.constant 0 : i32
      %dma_wait3A_31 = arith.constant 0 : i32
      %dma_wait3A_32 = tpu.memref_slice %arg4[%add3A, %dma_wait3A, %dma_wait3A_31] : memref<32x125x80xi32, #tpu.memory_space<hbm>> -> memref<1x125x80xi32, #tpu.memory_space<hbm>>
      %dma_wait3A_33 = tpu.memref_squeeze %dma_wait3A_32 : memref<1x125x80xi32, #tpu.memory_space<hbm>> -> memref<125x80xi32, #tpu.memory_space<hbm>>
      %dma_wait3A_34 = arith.constant 0 : i32
      %dma_wait3A_35 = arith.constant 0 : i32
      %dma_wait3A_36 = tpu.memref_slice %arg4[%add3A, %dma_wait3A_34, %dma_wait3A_35] : memref<32x125x80xi32, #tpu.memory_space<hbm>> -> memref<1x125x80xi32, #tpu.memory_space<hbm>>
      %dma_wait3A_37 = tpu.memref_squeeze %dma_wait3A_36 : memref<1x125x80xi32, #tpu.memory_space<hbm>> -> memref<125x80xi32, #tpu.memory_space<hbm>>
      tpu.wait_dma2 semaphore(%run_scoped3A : memref<!tpu.dma_semaphore, #tpu.memory_space<semaphore_mem>>) src(%dma_wait3A_37 : memref<125x80xi32, #tpu.memory_space<hbm>>) dst(%arg7 : memref<125x80xi32, #tpu.memory_space<vmem>>)
      tpu.yield
    }) : () -> ()
    %scan3A_13 = arith.constant 0 : i32
    %scan3A_14 = arith.constant 0 : i32
    %scan3A_15 = arith.constant 125 : i32
    %scan3A_16 = arith.addi %scan3A_14, %scan3A_15 : i32
    %scan3A_17 = arith.constant 1 : i32
    scf.for %scan3A_24 = %scan3A_14 to %scan3A_16 step %scan3A_17  : i32 {
      "tpu.region"() ({
        %run_scoped3A = tpu.sem_alloc : memref<!tpu.dma_semaphore, #tpu.memory_space<semaphore_mem>>
        %dma_start3A = arith.constant 0 : i32
        %dma_start3A_25 = tpu.memref_slice %arg6[%scan3A_24, %dma_start3A] : memref<125x80xi32, #tpu.memory_space<vmem>> -> memref<1x80xi32, #tpu.memory_space<vmem>>
        %dma_start3A_26 = tpu.memref_squeeze %dma_start3A_25 : memref<1x80xi32, #tpu.memory_space<vmem>> -> memref<80xi32, #tpu.memory_space<vmem>>
        %dma_start3A_27 = arith.constant 0 : i32
        %dma_start3A_28 = arith.constant 0 : i32
        %dma_start3A_29 = tpu.memref_slice %arg2[%dma_start3A_27, %dma_start3A_28] : memref<10240x128xf32, #tpu.memory_space<hbm>> -> memref<10240x128xf32, #tpu.memory_space<hbm>>
        tpu.enqueue_indirect_dma source(%dma_start3A_29 : memref<10240x128xf32, #tpu.memory_space<hbm>>) target(%arg8 : memref<80x128xf32, #tpu.memory_space<vmem>>) offsets(%dma_start3A_26 : memref<80xi32, #tpu.memory_space<vmem>>) semaphore(%run_scoped3A : memref<!tpu.dma_semaphore, #tpu.memory_space<semaphore_mem>>)
        %dma_wait3A = arith.constant 0 : i32
        %dma_wait3A_30 = tpu.memref_slice %arg6[%scan3A_24, %dma_wait3A] : memref<125x80xi32, #tpu.memory_space<vmem>> -> memref<1x80xi32, #tpu.memory_space<vmem>>
        %dma_wait3A_31 = tpu.memref_squeeze %dma_wait3A_30 : memref<1x80xi32, #tpu.memory_space<vmem>> -> memref<80xi32, #tpu.memory_space<vmem>>
        %dma_wait3A_32 = arith.constant 0 : i32
        %dma_wait3A_33 = arith.constant 0 : i32
        %dma_wait3A_34 = tpu.memref_slice %arg2[%dma_wait3A_32, %dma_wait3A_33] : memref<10240x128xf32, #tpu.memory_space<hbm>> -> memref<10240x128xf32, #tpu.memory_space<hbm>>
        tpu.wait_indirect_dma semaphore(%run_scoped3A : memref<!tpu.dma_semaphore, #tpu.memory_space<semaphore_mem>>) src(%dma_wait3A_34 : memref<10240x128xf32, #tpu.memory_space<hbm>>) dst(%arg8 : memref<80x128xf32, #tpu.memory_space<vmem>>)
        tpu.yield
      }) : () -> ()
      "tpu.region"() ({
        %run_scoped3A = tpu.sem_alloc : memref<!tpu.dma_semaphore, #tpu.memory_space<semaphore_mem>>
        %dma_start3A = arith.constant 0 : i32
        %dma_start3A_25 = tpu.memref_slice %arg7[%scan3A_24, %dma_start3A] : memref<125x80xi32, #tpu.memory_space<vmem>> -> memref<1x80xi32, #tpu.memory_space<vmem>>
        %dma_start3A_26 = tpu.memref_squeeze %dma_start3A_25 : memref<1x80xi32, #tpu.memory_space<vmem>> -> memref<80xi32, #tpu.memory_space<vmem>>
        %dma_start3A_27 = arith.constant 0 : i32
        %dma_start3A_28 = arith.constant 0 : i32
        %dma_start3A_29 = tpu.memref_slice %arg10[%dma_start3A_27, %dma_start3A_28] : memref<10240x128xf32, #tpu.memory_space<vmem_shared>> -> memref<10240x128xf32, #tpu.memory_space<vmem_shared>>
        tpu.enqueue_indirect_dma source(%arg8 : memref<80x128xf32, #tpu.memory_space<vmem>>) target(%dma_start3A_29 : memref<10240x128xf32, #tpu.memory_space<vmem_shared>>) offsets(%dma_start3A_26 : memref<80xi32, #tpu.memory_space<vmem>>) semaphore(%run_scoped3A : memref<!tpu.dma_semaphore, #tpu.memory_space<semaphore_mem>>) {add = true}
        %dma_wait3A = arith.constant 0 : i32
        %dma_wait3A_30 = tpu.memref_slice %arg7[%scan3A_24, %dma_wait3A] : memref<125x80xi32, #tpu.memory_space<vmem>> -> memref<1x80xi32, #tpu.memory_space<vmem>>
        %dma_wait3A_31 = tpu.memref_squeeze %dma_wait3A_30 : memref<1x80xi32, #tpu.memory_space<vmem>> -> memref<80xi32, #tpu.memory_space<vmem>>
        %dma_wait3A_32 = arith.constant 0 : i32
        %dma_wait3A_33 = arith.constant 0 : i32
        %dma_wait3A_34 = tpu.memref_slice %arg10[%dma_wait3A_32, %dma_wait3A_33] : memref<10240x128xf32, #tpu.memory_space<vmem_shared>> -> memref<10240x128xf32, #tpu.memory_space<vmem_shared>>
        tpu.wait_indirect_dma semaphore(%run_scoped3A : memref<!tpu.dma_semaphore, #tpu.memory_space<semaphore_mem>>) src(%arg8 : memref<80x128xf32, #tpu.memory_space<vmem>>) dst(%dma_wait3A_34 : memref<10240x128xf32, #tpu.memory_space<vmem_shared>>)
        tpu.yield
      }) : () -> ()
    }
    %scan3A_18 = arith.constant 125 : i32
    %barrier3A_19 = arith.constant 0 : index
    tpu.barrier barrier_id(%barrier3A_19)
    %mul3A_20 = arith.constant 640 : i32
    %mul3A_21 = arith.muli %arg1, %mul3A_20 : i32
    %mul3A_22 = arith.constant 640 : i32
    %mul3A_23 = arith.muli %arg1, %mul3A_22 : i32
    "tpu.region"() ({
      %run_scoped3A = tpu.sem_alloc : memref<!tpu.dma_semaphore, #tpu.memory_space<semaphore_mem>>
      %dma_start3A = arith.constant 0 : i32
      %dma_start3A_24 = tpu.memref_slice %arg5[%arg0, %mul3A_23, %dma_start3A] : memref<2x10240x128xf32, #tpu.memory_space<hbm>> -> memref<1x640x128xf32, #tpu.memory_space<hbm>>
      %dma_start3A_25 = tpu.memref_squeeze %dma_start3A_24 : memref<1x640x128xf32, #tpu.memory_space<hbm>> -> memref<640x128xf32, #tpu.memory_space<hbm>>
      %dma_start3A_26 = arith.constant 0 : i32
      %dma_start3A_27 = tpu.memref_slice %arg10[%mul3A_21, %dma_start3A_26] : memref<10240x128xf32, #tpu.memory_space<vmem_shared>> -> memref<640x128xf32, #tpu.memory_space<vmem_shared>>
      tpu.enqueue_dma source(%dma_start3A_27 : memref<640x128xf32, #tpu.memory_space<vmem_shared>>) target(%dma_start3A_25 : memref<640x128xf32, #tpu.memory_space<hbm>>) target_semaphore(%run_scoped3A : memref<!tpu.dma_semaphore, #tpu.memory_space<semaphore_mem>>)
      %dma_wait3A = arith.constant 0 : i32
      %dma_wait3A_28 = tpu.memref_slice %arg5[%arg0, %mul3A_23, %dma_wait3A] : memref<2x10240x128xf32, #tpu.memory_space<hbm>> -> memref<1x640x128xf32, #tpu.memory_space<hbm>>
      %dma_wait3A_29 = tpu.memref_squeeze %dma_wait3A_28 : memref<1x640x128xf32, #tpu.memory_space<hbm>> -> memref<640x128xf32, #tpu.memory_space<hbm>>
      %dma_wait3A_30 = arith.constant 0 : i32
      %dma_wait3A_31 = tpu.memref_slice %arg10[%mul3A_21, %dma_wait3A_30] : memref<10240x128xf32, #tpu.memory_space<vmem_shared>> -> memref<640x128xf32, #tpu.memory_space<vmem_shared>>
      tpu.wait_dma2 semaphore(%run_scoped3A : memref<!tpu.dma_semaphore, #tpu.memory_space<semaphore_mem>>) src(%dma_wait3A_31 : memref<640x128xf32, #tpu.memory_space<vmem_shared>>) dst(%dma_wait3A_29 : memref<640x128xf32, #tpu.memory_space<hbm>>)
      tpu.yield
    }) : () -> ()
    return
  }
}

#map = affine_map<(d0, d1) -> (0, 0)>
#map1 = affine_map<(d0, d1) -> (0, 0, 0)>
module attributes {stable_mosaic.version = 14 : i64} {
  func.func @_agg_kernel(%arg0: i32, %arg1: i32, %arg2: memref<10240x128xf32, #tpu.memory_space<hbm>>, %arg3: memref<32x125x80xi32, #tpu.memory_space<hbm>>, %arg4: memref<32x125x80xi32, #tpu.memory_space<hbm>>, %arg5: memref<2x10240x128xf32, #tpu.memory_space<hbm>>, %arg6: memref<125x80xi32, #tpu.memory_space<vmem>>, %arg7: memref<125x80xi32, #tpu.memory_space<vmem>>, %arg8: memref<80x128xf32, #tpu.memory_space<vmem>>, %arg9: memref<16x128xf32, #tpu.memory_space<vmem>>, %arg10: memref<10240x128xf32, #tpu.memory_space<vmem_shared>>) attributes {dimension_semantics = [#tpu.dimension_semantics<core_parallel>, #tpu.dimension_semantics<subcore_parallel>], iteration_bounds = array<i64: 2, 16>, scalar_prefetch = 0 : i64, scratch_operands = 5 : i64, tpu.core_type = #tpu.core_type<sc_vector_subcore>, window_params = [{transform_indices = #map}, {transform_indices = #map1}, {transform_indices = #map1}, {transform_indices = #map1}]} {
    %mul3A = arith.constant 2 : i32
    %mul3A_0 = arith.muli %arg1, %mul3A : i32
    %add3A = arith.addi %mul3A_0, %arg0 : i32
    %broadcast_in_dim3A = arith.constant 0.000000e+00 : f32
    %broadcast_in_dim3A_1 = vector.broadcast %broadcast_in_dim3A : f32 to vector<16xf32>
    %scan3A = arith.constant 0 : i32
    %scan3A_2 = arith.constant 0 : i32
    %scan3A_3 = arith.constant 16 : i32
    %scan3A_4 = arith.addi %scan3A_2, %scan3A_3 : i32
    %scan3A_5 = arith.constant 1 : i32
    scf.for %scan3A_24 = %scan3A_2 to %scan3A_4 step %scan3A_5  : i32 {
      %swap3A = arith.index_cast %scan3A_24 : i32 to index
      %swap3A_25 = arith.constant 0 : index
      %swap3A_26 = tpu.vector_load %arg9[%swap3A, %swap3A_25] {strides = array<i32>} : memref<16x128xf32, #tpu.memory_space<vmem>>, vector<1x16xf32>,
      %swap3A_27 = vector.shape_cast %swap3A_26 : vector<1x16xf32> to vector<16xf32>
      %swap3A_28 = vector.shape_cast %broadcast_in_dim3A_1 : vector<16xf32> to vector<1x16xf32>
      tpu.vector_store %arg9[%swap3A, %swap3A_25], %swap3A_28 {strides = array<i32>} : memref<16x128xf32, #tpu.memory_space<vmem>>, vector<1x16xf32>,
      %swap3A_29 = arith.index_cast %scan3A_24 : i32 to index
      %swap3A_30 = arith.constant 16 : index
      %swap3A_31 = tpu.vector_load %arg9[%swap3A_29, %swap3A_30] {strides = array<i32>} : memref<16x128xf32, #tpu.memory_space<vmem>>, vector<1x16xf32>,
      %swap3A_32 = vector.shape_cast %swap3A_31 : vector<1x16xf32> to vector<16xf32>
      %swap3A_33 = vector.shape_cast %broadcast_in_dim3A_1 : vector<16xf32> to vector<1x16xf32>
      tpu.vector_store %arg9[%swap3A_29, %swap3A_30], %swap3A_33 {strides = array<i32>} : memref<16x128xf32, #tpu.memory_space<vmem>>, vector<1x16xf32>,
      %swap3A_34 = arith.index_cast %scan3A_24 : i32 to index
      %swap3A_35 = arith.constant 32 : index
      %swap3A_36 = tpu.vector_load %arg9[%swap3A_34, %swap3A_35] {strides = array<i32>} : memref<16x128xf32, #tpu.memory_space<vmem>>, vector<1x16xf32>,
      %swap3A_37 = vector.shape_cast %swap3A_36 : vector<1x16xf32> to vector<16xf32>
      %swap3A_38 = vector.shape_cast %broadcast_in_dim3A_1 : vector<16xf32> to vector<1x16xf32>
      tpu.vector_store %arg9[%swap3A_34, %swap3A_35], %swap3A_38 {strides = array<i32>} : memref<16x128xf32, #tpu.memory_space<vmem>>, vector<1x16xf32>,
      %swap3A_39 = arith.index_cast %scan3A_24 : i32 to index
      %swap3A_40 = arith.constant 48 : index
      %swap3A_41 = tpu.vector_load %arg9[%swap3A_39, %swap3A_40] {strides = array<i32>} : memref<16x128xf32, #tpu.memory_space<vmem>>, vector<1x16xf32>,
      %swap3A_42 = vector.shape_cast %swap3A_41 : vector<1x16xf32> to vector<16xf32>
      %swap3A_43 = vector.shape_cast %broadcast_in_dim3A_1 : vector<16xf32> to vector<1x16xf32>
      tpu.vector_store %arg9[%swap3A_39, %swap3A_40], %swap3A_43 {strides = array<i32>} : memref<16x128xf32, #tpu.memory_space<vmem>>, vector<1x16xf32>,
      %swap3A_44 = arith.index_cast %scan3A_24 : i32 to index
      %swap3A_45 = arith.constant 64 : index
      %swap3A_46 = tpu.vector_load %arg9[%swap3A_44, %swap3A_45] {strides = array<i32>} : memref<16x128xf32, #tpu.memory_space<vmem>>, vector<1x16xf32>,
      %swap3A_47 = vector.shape_cast %swap3A_46 : vector<1x16xf32> to vector<16xf32>
      %swap3A_48 = vector.shape_cast %broadcast_in_dim3A_1 : vector<16xf32> to vector<1x16xf32>
      tpu.vector_store %arg9[%swap3A_44, %swap3A_45], %swap3A_48 {strides = array<i32>} : memref<16x128xf32, #tpu.memory_space<vmem>>, vector<1x16xf32>,
      %swap3A_49 = arith.index_cast %scan3A_24 : i32 to index
      %swap3A_50 = arith.constant 80 : index
      %swap3A_51 = tpu.vector_load %arg9[%swap3A_49, %swap3A_50] {strides = array<i32>} : memref<16x128xf32, #tpu.memory_space<vmem>>, vector<1x16xf32>,
      %swap3A_52 = vector.shape_cast %swap3A_51 : vector<1x16xf32> to vector<16xf32>
      %swap3A_53 = vector.shape_cast %broadcast_in_dim3A_1 : vector<16xf32> to vector<1x16xf32>
      tpu.vector_store %arg9[%swap3A_49, %swap3A_50], %swap3A_53 {strides = array<i32>} : memref<16x128xf32, #tpu.memory_space<vmem>>, vector<1x16xf32>,
      %swap3A_54 = arith.index_cast %scan3A_24 : i32 to index
      %swap3A_55 = arith.constant 96 : index
      %swap3A_56 = tpu.vector_load %arg9[%swap3A_54, %swap3A_55] {strides = array<i32>} : memref<16x128xf32, #tpu.memory_space<vmem>>, vector<1x16xf32>,
      %swap3A_57 = vector.shape_cast %swap3A_56 : vector<1x16xf32> to vector<16xf32>
      %swap3A_58 = vector.shape_cast %broadcast_in_dim3A_1 : vector<16xf32> to vector<1x16xf32>
      tpu.vector_store %arg9[%swap3A_54, %swap3A_55], %swap3A_58 {strides = array<i32>} : memref<16x128xf32, #tpu.memory_space<vmem>>, vector<1x16xf32>,
      %swap3A_59 = arith.index_cast %scan3A_24 : i32 to index
      %swap3A_60 = arith.constant 112 : index
      %swap3A_61 = tpu.vector_load %arg9[%swap3A_59, %swap3A_60] {strides = array<i32>} : memref<16x128xf32, #tpu.memory_space<vmem>>, vector<1x16xf32>,
      %swap3A_62 = vector.shape_cast %swap3A_61 : vector<1x16xf32> to vector<16xf32>
      %swap3A_63 = vector.shape_cast %broadcast_in_dim3A_1 : vector<16xf32> to vector<1x16xf32>
      tpu.vector_store %arg9[%swap3A_59, %swap3A_60], %swap3A_63 {strides = array<i32>} : memref<16x128xf32, #tpu.memory_space<vmem>>, vector<1x16xf32>,
    }
    %scan3A_6 = arith.constant 16 : i32
    %scan3A_7 = arith.constant 0 : i32
    %scan3A_8 = arith.constant 0 : i32
    %scan3A_9 = arith.constant 40 : i32
    %scan3A_10 = arith.addi %scan3A_8, %scan3A_9 : i32
    %scan3A_11 = arith.constant 1 : i32
    scf.for %scan3A_24 = %scan3A_8 to %scan3A_10 step %scan3A_11  : i32 {
      %mul3A_25 = arith.constant 640 : i32
      %mul3A_26 = arith.muli %arg1, %mul3A_25 : i32
      %mul3A_27 = arith.constant 16 : i32
      %mul3A_28 = arith.muli %scan3A_24, %mul3A_27 : i32
      %add3A_29 = arith.addi %mul3A_26, %mul3A_28 : i32
      "tpu.region"() ({
        %run_scoped3A = tpu.sem_alloc : memref<!tpu.dma_semaphore, #tpu.memory_space<semaphore_mem>>
        %dma_start3A = arith.constant 0 : i32
        %dma_start3A_30 = tpu.memref_slice %arg10[%add3A_29, %dma_start3A] : memref<10240x128xf32, #tpu.memory_space<vmem_shared>> -> memref<16x128xf32, #tpu.memory_space<vmem_shared>>
        %dma_start3A_31 = arith.constant 0 : i32
        %dma_start3A_32 = tpu.memref_slice %arg10[%add3A_29, %dma_start3A_31] : memref<10240x128xf32, #tpu.memory_space<vmem_shared>> -> memref<16x128xf32, #tpu.memory_space<vmem_shared>>
        tpu.enqueue_dma source(%arg9 : memref<16x128xf32, #tpu.memory_space<vmem>>) target(%dma_start3A_32 : memref<16x128xf32, #tpu.memory_space<vmem_shared>>) target_semaphore(%run_scoped3A : memref<!tpu.dma_semaphore, #tpu.memory_space<semaphore_mem>>)
        %dma_wait3A = arith.constant 0 : i32
        %dma_wait3A_33 = tpu.memref_slice %arg10[%add3A_29, %dma_wait3A] : memref<10240x128xf32, #tpu.memory_space<vmem_shared>> -> memref<16x128xf32, #tpu.memory_space<vmem_shared>>
        %dma_wait3A_34 = arith.constant 0 : i32
        %dma_wait3A_35 = tpu.memref_slice %arg10[%add3A_29, %dma_wait3A_34] : memref<10240x128xf32, #tpu.memory_space<vmem_shared>> -> memref<16x128xf32, #tpu.memory_space<vmem_shared>>
        tpu.wait_dma2 semaphore(%run_scoped3A : memref<!tpu.dma_semaphore, #tpu.memory_space<semaphore_mem>>) src(%arg9 : memref<16x128xf32, #tpu.memory_space<vmem>>) dst(%dma_wait3A_35 : memref<16x128xf32, #tpu.memory_space<vmem_shared>>)
        tpu.yield
      }) : () -> ()
    }
    %scan3A_12 = arith.constant 40 : i32
    %barrier3A = arith.constant 0 : index
    tpu.barrier barrier_id(%barrier3A)
    "tpu.region"() ({
      %run_scoped3A = tpu.sem_alloc : memref<!tpu.dma_semaphore, #tpu.memory_space<semaphore_mem>>
      %dma_start3A = arith.constant 0 : i32
      %dma_start3A_24 = arith.constant 0 : i32
      %dma_start3A_25 = tpu.memref_slice %arg3[%add3A, %dma_start3A, %dma_start3A_24] : memref<32x125x80xi32, #tpu.memory_space<hbm>> -> memref<1x125x80xi32, #tpu.memory_space<hbm>>
      %dma_start3A_26 = tpu.memref_squeeze %dma_start3A_25 : memref<1x125x80xi32, #tpu.memory_space<hbm>> -> memref<125x80xi32, #tpu.memory_space<hbm>>
      %dma_start3A_27 = arith.constant 0 : i32
      %dma_start3A_28 = arith.constant 0 : i32
      %dma_start3A_29 = tpu.memref_slice %arg3[%add3A, %dma_start3A_27, %dma_start3A_28] : memref<32x125x80xi32, #tpu.memory_space<hbm>> -> memref<1x125x80xi32, #tpu.memory_space<hbm>>
      %dma_start3A_30 = tpu.memref_squeeze %dma_start3A_29 : memref<1x125x80xi32, #tpu.memory_space<hbm>> -> memref<125x80xi32, #tpu.memory_space<hbm>>
      tpu.enqueue_dma source(%dma_start3A_30 : memref<125x80xi32, #tpu.memory_space<hbm>>) target(%arg6 : memref<125x80xi32, #tpu.memory_space<vmem>>) target_semaphore(%run_scoped3A : memref<!tpu.dma_semaphore, #tpu.memory_space<semaphore_mem>>)
      %dma_wait3A = arith.constant 0 : i32
      %dma_wait3A_31 = arith.constant 0 : i32
      %dma_wait3A_32 = tpu.memref_slice %arg3[%add3A, %dma_wait3A, %dma_wait3A_31] : memref<32x125x80xi32, #tpu.memory_space<hbm>> -> memref<1x125x80xi32, #tpu.memory_space<hbm>>
      %dma_wait3A_33 = tpu.memref_squeeze %dma_wait3A_32 : memref<1x125x80xi32, #tpu.memory_space<hbm>> -> memref<125x80xi32, #tpu.memory_space<hbm>>
      %dma_wait3A_34 = arith.constant 0 : i32
      %dma_wait3A_35 = arith.constant 0 : i32
      %dma_wait3A_36 = tpu.memref_slice %arg3[%add3A, %dma_wait3A_34, %dma_wait3A_35] : memref<32x125x80xi32, #tpu.memory_space<hbm>> -> memref<1x125x80xi32, #tpu.memory_space<hbm>>
      %dma_wait3A_37 = tpu.memref_squeeze %dma_wait3A_36 : memref<1x125x80xi32, #tpu.memory_space<hbm>> -> memref<125x80xi32, #tpu.memory_space<hbm>>
      tpu.wait_dma2 semaphore(%run_scoped3A : memref<!tpu.dma_semaphore, #tpu.memory_space<semaphore_mem>>) src(%dma_wait3A_37 : memref<125x80xi32, #tpu.memory_space<hbm>>) dst(%arg6 : memref<125x80xi32, #tpu.memory_space<vmem>>)
      tpu.yield
    }) : () -> ()
    "tpu.region"() ({
      %run_scoped3A = tpu.sem_alloc : memref<!tpu.dma_semaphore, #tpu.memory_space<semaphore_mem>>
      %dma_start3A = arith.constant 0 : i32
      %dma_start3A_24 = arith.constant 0 : i32
      %dma_start3A_25 = tpu.memref_slice %arg4[%add3A, %dma_start3A, %dma_start3A_24] : memref<32x125x80xi32, #tpu.memory_space<hbm>> -> memref<1x125x80xi32, #tpu.memory_space<hbm>>
      %dma_start3A_26 = tpu.memref_squeeze %dma_start3A_25 : memref<1x125x80xi32, #tpu.memory_space<hbm>> -> memref<125x80xi32, #tpu.memory_space<hbm>>
      %dma_start3A_27 = arith.constant 0 : i32
      %dma_start3A_28 = arith.constant 0 : i32
      %dma_start3A_29 = tpu.memref_slice %arg4[%add3A, %dma_start3A_27, %dma_start3A_28] : memref<32x125x80xi32, #tpu.memory_space<hbm>> -> memref<1x125x80xi32, #tpu.memory_space<hbm>>
      %dma_start3A_30 = tpu.memref_squeeze %dma_start3A_29 : memref<1x125x80xi32, #tpu.memory_space<hbm>> -> memref<125x80xi32, #tpu.memory_space<hbm>>
      tpu.enqueue_dma source(%dma_start3A_30 : memref<125x80xi32, #tpu.memory_space<hbm>>) target(%arg7 : memref<125x80xi32, #tpu.memory_space<vmem>>) target_semaphore(%run_scoped3A : memref<!tpu.dma_semaphore, #tpu.memory_space<semaphore_mem>>)
      %dma_wait3A = arith.constant 0 : i32
      %dma_wait3A_31 = arith.constant 0 : i32
      %dma_wait3A_32 = tpu.memref_slice %arg4[%add3A, %dma_wait3A, %dma_wait3A_31] : memref<32x125x80xi32, #tpu.memory_space<hbm>> -> memref<1x125x80xi32, #tpu.memory_space<hbm>>
      %dma_wait3A_33 = tpu.memref_squeeze %dma_wait3A_32 : memref<1x125x80xi32, #tpu.memory_space<hbm>> -> memref<125x80xi32, #tpu.memory_space<hbm>>
      %dma_wait3A_34 = arith.constant 0 : i32
      %dma_wait3A_35 = arith.constant 0 : i32
      %dma_wait3A_36 = tpu.memref_slice %arg4[%add3A, %dma_wait3A_34, %dma_wait3A_35] : memref<32x125x80xi32, #tpu.memory_space<hbm>> -> memref<1x125x80xi32, #tpu.memory_space<hbm>>
      %dma_wait3A_37 = tpu.memref_squeeze %dma_wait3A_36 : memref<1x125x80xi32, #tpu.memory_space<hbm>> -> memref<125x80xi32, #tpu.memory_space<hbm>>
      tpu.wait_dma2 semaphore(%run_scoped3A : memref<!tpu.dma_semaphore, #tpu.memory_space<semaphore_mem>>) src(%dma_wait3A_37 : memref<125x80xi32, #tpu.memory_space<hbm>>) dst(%arg7 : memref<125x80xi32, #tpu.memory_space<vmem>>)
      tpu.yield
    }) : () -> ()
    %scan3A_13 = arith.constant 0 : i32
    %scan3A_14 = arith.constant 0 : i32
    %scan3A_15 = arith.constant 125 : i32
    %scan3A_16 = arith.addi %scan3A_14, %scan3A_15 : i32
    %scan3A_17 = arith.constant 1 : i32
    scf.for %scan3A_24 = %scan3A_14 to %scan3A_16 step %scan3A_17  : i32 {
      "tpu.region"() ({
        %run_scoped3A = tpu.sem_alloc : memref<!tpu.dma_semaphore, #tpu.memory_space<semaphore_mem>>
        %dma_start3A = arith.constant 0 : i32
        %dma_start3A_25 = tpu.memref_slice %arg6[%scan3A_24, %dma_start3A] : memref<125x80xi32, #tpu.memory_space<vmem>> -> memref<1x80xi32, #tpu.memory_space<vmem>>
        %dma_start3A_26 = tpu.memref_squeeze %dma_start3A_25 : memref<1x80xi32, #tpu.memory_space<vmem>> -> memref<80xi32, #tpu.memory_space<vmem>>
        %dma_start3A_27 = arith.constant 0 : i32
        %dma_start3A_28 = arith.constant 0 : i32
        %dma_start3A_29 = tpu.memref_slice %arg2[%dma_start3A_27, %dma_start3A_28] : memref<10240x128xf32, #tpu.memory_space<hbm>> -> memref<10240x128xf32, #tpu.memory_space<hbm>>
        tpu.enqueue_indirect_dma source(%dma_start3A_29 : memref<10240x128xf32, #tpu.memory_space<hbm>>) target(%arg8 : memref<80x128xf32, #tpu.memory_space<vmem>>) offsets(%dma_start3A_26 : memref<80xi32, #tpu.memory_space<vmem>>) semaphore(%run_scoped3A : memref<!tpu.dma_semaphore, #tpu.memory_space<semaphore_mem>>)
        %dma_wait3A = arith.constant 0 : i32
        %dma_wait3A_30 = tpu.memref_slice %arg6[%scan3A_24, %dma_wait3A] : memref<125x80xi32, #tpu.memory_space<vmem>> -> memref<1x80xi32, #tpu.memory_space<vmem>>
        %dma_wait3A_31 = tpu.memref_squeeze %dma_wait3A_30 : memref<1x80xi32, #tpu.memory_space<vmem>> -> memref<80xi32, #tpu.memory_space<vmem>>
        %dma_wait3A_32 = arith.constant 0 : i32
        %dma_wait3A_33 = arith.constant 0 : i32
        %dma_wait3A_34 = tpu.memref_slice %arg2[%dma_wait3A_32, %dma_wait3A_33] : memref<10240x128xf32, #tpu.memory_space<hbm>> -> memref<10240x128xf32, #tpu.memory_space<hbm>>
        tpu.wait_indirect_dma semaphore(%run_scoped3A : memref<!tpu.dma_semaphore, #tpu.memory_space<semaphore_mem>>) src(%dma_wait3A_34 : memref<10240x128xf32, #tpu.memory_space<hbm>>) dst(%arg8 : memref<80x128xf32, #tpu.memory_space<vmem>>)
        tpu.yield
      }) : () -> ()
      "tpu.region"() ({
        %run_scoped3A = tpu.sem_alloc : memref<!tpu.dma_semaphore, #tpu.memory_space<semaphore_mem>>
        %dma_start3A = arith.constant 0 : i32
        %dma_start3A_25 = tpu.memref_slice %arg7[%scan3A_24, %dma_start3A] : memref<125x80xi32, #tpu.memory_space<vmem>> -> memref<1x80xi32, #tpu.memory_space<vmem>>
        %dma_start3A_26 = tpu.memref_squeeze %dma_start3A_25 : memref<1x80xi32, #tpu.memory_space<vmem>> -> memref<80xi32, #tpu.memory_space<vmem>>
        %dma_start3A_27 = arith.constant 0 : i32
        %dma_start3A_28 = arith.constant 0 : i32
        %dma_start3A_29 = tpu.memref_slice %arg10[%dma_start3A_27, %dma_start3A_28] : memref<10240x128xf32, #tpu.memory_space<vmem_shared>> -> memref<10240x128xf32, #tpu.memory_space<vmem_shared>>
        tpu.enqueue_indirect_dma source(%arg8 : memref<80x128xf32, #tpu.memory_space<vmem>>) target(%dma_start3A_29 : memref<10240x128xf32, #tpu.memory_space<vmem_shared>>) offsets(%dma_start3A_26 : memref<80xi32, #tpu.memory_space<vmem>>) semaphore(%run_scoped3A : memref<!tpu.dma_semaphore, #tpu.memory_space<semaphore_mem>>) {add = true}
        %dma_wait3A = arith.constant 0 : i32
        %dma_wait3A_30 = tpu.memref_slice %arg7[%scan3A_24, %dma_wait3A] : memref<125x80xi32, #tpu.memory_space<vmem>> -> memref<1x80xi32, #tpu.memory_space<vmem>>
        %dma_wait3A_31 = tpu.memref_squeeze %dma_wait3A_30 : memref<1x80xi32, #tpu.memory_space<vmem>> -> memref<80xi32, #tpu.memory_space<vmem>>
        %dma_wait3A_32 = arith.constant 0 : i32
        %dma_wait3A_33 = arith.constant 0 : i32
        %dma_wait3A_34 = tpu.memref_slice %arg10[%dma_wait3A_32, %dma_wait3A_33] : memref<10240x128xf32, #tpu.memory_space<vmem_shared>> -> memref<10240x128xf32, #tpu.memory_space<vmem_shared>>
        tpu.wait_indirect_dma semaphore(%run_scoped3A : memref<!tpu.dma_semaphore, #tpu.memory_space<semaphore_mem>>) src(%arg8 : memref<80x128xf32, #tpu.memory_space<vmem>>) dst(%dma_wait3A_34 : memref<10240x128xf32, #tpu.memory_space<vmem_shared>>)
        tpu.yield
      }) : () -> ()
    }
    %scan3A_18 = arith.constant 125 : i32
    %barrier3A_19 = arith.constant 0 : index
    tpu.barrier barrier_id(%barrier3A_19)
    %mul3A_20 = arith.constant 640 : i32
    %mul3A_21 = arith.muli %arg1, %mul3A_20 : i32
    %mul3A_22 = arith.constant 640 : i32
    %mul3A_23 = arith.muli %arg1, %mul3A_22 : i32
    "tpu.region"() ({
      %run_scoped3A = tpu.sem_alloc : memref<!tpu.dma_semaphore, #tpu.memory_space<semaphore_mem>>
      %dma_start3A = arith.constant 0 : i32
      %dma_start3A_24 = tpu.memref_slice %arg5[%arg0, %mul3A_23, %dma_start3A] : memref<2x10240x128xf32, #tpu.memory_space<hbm>> -> memref<1x640x128xf32, #tpu.memory_space<hbm>>
      %dma_start3A_25 = tpu.memref_squeeze %dma_start3A_24 : memref<1x640x128xf32, #tpu.memory_space<hbm>> -> memref<640x128xf32, #tpu.memory_space<hbm>>
      %dma_start3A_26 = arith.constant 0 : i32
      %dma_start3A_27 = tpu.memref_slice %arg10[%mul3A_21, %dma_start3A_26] : memref<10240x128xf32, #tpu.memory_space<vmem_shared>> -> memref<640x128xf32, #tpu.memory_space<vmem_shared>>
      tpu.enqueue_dma source(%dma_start3A_27 : memref<640x128xf32, #tpu.memory_space<vmem_shared>>) target(%dma_start3A_25 : memref<640x128xf32, #tpu.memory_space<hbm>>) target_semaphore(%run_scoped3A : memref<!tpu.dma_semaphore, #tpu.memory_space<semaphore_mem>>)
      %dma_wait3A = arith.constant 0 : i32
      %dma_wait3A_28 = tpu.memref_slice %arg5[%arg0, %mul3A_23, %dma_wait3A] : memref<2x10240x128xf32, #tpu.memory_space<hbm>> -> memref<1x640x128xf32, #tpu.memory_space<hbm>>
      %dma_wait3A_29 = tpu.memref_squeeze %dma_wait3A_28 : memref<1x640x128xf32, #tpu.memory_space<hbm>> -> memref<640x128xf32, #tpu.memory_space<hbm>>
      %dma_wait3A_30 = arith.constant 0 : i32
      %dma_wait3A_31 = tpu.memref_slice %arg10[%mul3A_21, %dma_wait3A_30] : memref<10240x128xf32, #tpu.memory_space<vmem_shared>> -> memref<640x128xf32, #tpu.memory_space<vmem_shared>>
      tpu.wait_dma2 semaphore(%run_scoped3A : memref<!tpu.dma_semaphore, #tpu.memory_space<semaphore_mem>>) src(%dma_wait3A_31 : memref<640x128xf32, #tpu.memory_space<vmem_shared>>) dst(%dma_wait3A_29 : memref<640x128xf32, #tpu.memory_space<hbm>>)
      tpu.yield
    }) : () -> ()
    return
  }
}

module attributes {stable_mosaic.version = 14 : i64} {
  func.func @_tc1_body(%arg0: i32, %arg1: memref<1024x128xf32, #tpu.memory_space<vmem>>, %arg2: memref<128x128xf32, #tpu.memory_space<vmem>>, %arg3: memref<2x1024xf32, #tpu.memory_space<vmem>>, %arg4: memref<1024x128xf32, #tpu.memory_space<vmem>>) attributes {dimension_semantics = [#tpu.dimension_semantics<arbitrary>], iteration_bounds = array<i64: 10>, scalar_prefetch = 0 : i64, scratch_operands = 0 : i64, tpu.core_type = #tpu.core_type<tc>, window_params = [{transform_indices = @transform_0, window_bounds = array<i64: 1024, 128>}, {pipeline_mode = #tpu.pipeline_mode<synchronous>, transform_indices = @transform_1, window_bounds = array<i64: 128, 128>}, {transform_indices = @transform_2, window_bounds = array<i64: 2, 1024>}, {transform_indices = @transform_3, window_bounds = array<i64: 1024, 128>}]} {
    %get3A = arith.constant 0 : index
    %get3A_0 = arith.constant 0 : index
    %get3A_1 = vector.load %arg3[%get3A, %get3A_0] : memref<2x1024xf32, #tpu.memory_space<vmem>>, vector<2x1024xf32>
    %reduce_sum3A = arith.constant dense<0.000000e+00> : vector<1024xf32>
    %reduce_sum3A_2 = vector.multi_reduction <add>, %get3A_1, %reduce_sum3A [0] : vector<2x1024xf32> to vector<1024xf32>
    %broadcast_in_dim3A = vector.shape_cast %reduce_sum3A_2 : vector<1024xf32> to vector<1x1024xf32>
    %add3A = arith.constant 1.000000e+00 : f32
    %add3A_3 = vector.broadcast %add3A : f32 to vector<1x1024xf32>
    %add3A_4 = arith.addf %broadcast_in_dim3A, %add3A_3 : vector<1x1024xf32>
    %rsqrt3A = math.rsqrt %add3A_4 : vector<1x1024xf32>
    %transpose3A = tpu.transpose %rsqrt3A, [1, 0] : vector<1x1024xf32> -> vector<1024x1xf32>
    %get3A_5 = arith.constant 0 : index
    %get3A_6 = arith.constant 0 : index
    %get3A_7 = vector.load %arg1[%get3A_5, %get3A_6] : memref<1024x128xf32, #tpu.memory_space<vmem>>, vector<1024x128xf32>
    %get3A_8 = arith.constant 0 : index
    %get3A_9 = arith.constant 0 : index
    %get3A_10 = vector.load %arg2[%get3A_8, %get3A_9] : memref<128x128xf32, #tpu.memory_space<vmem>>, vector<128x128xf32>
    %dot_general3A = arith.constant dense<0.000000e+00> : vector<1024x128xf32>
    %dot_general3A_11 = tpu.matmul %get3A_7, %get3A_10, %dot_general3A {dimension_numbers = #tpu.dot_dimension_numbers<[1], [0], [0], [1], [0, 0, 1, 1], [], []>, transpose_lhs_hint = false} : vector<1024x128xf32>, vector<128x128xf32>, vector<1024x128xf32> -> vector<1024x128xf32>
    %mul3A = vector.broadcast %transpose3A : vector<1024x1xf32> to vector<1024x128xf32>
    %mul3A_12 = arith.mulf %mul3A, %dot_general3A_11 : vector<1024x128xf32>
    %swap3A = arith.constant 0 : index
    %swap3A_13 = arith.constant 0 : index
    %swap3A_14 = vector.load %arg4[%swap3A, %swap3A_13] : memref<1024x128xf32, #tpu.memory_space<vmem>>, vector<1024x128xf32>
    tpu.vector_store %arg4[%swap3A, %swap3A_13], %mul3A_12 {strides = array<i32>} : memref<1024x128xf32, #tpu.memory_space<vmem>>, vector<1024x128xf32>,
    return
  }
  func.func @transform_0(%arg0: i32) -> (i32, i32) {
    %c0_i32 = arith.constant 0 : i32
    %c0_i32_0 = arith.constant 0 : i32
    return %arg0, %c0_i32 : i32, i32
  }
  func.func @transform_1(%arg0: i32) -> (i32, i32) {
    %c0_i32 = arith.constant 0 : i32
    %c0_i32_0 = arith.constant 0 : i32
    %c0_i32_1 = arith.constant 0 : i32
    return %c0_i32, %c0_i32_0 : i32, i32
  }
  func.func @transform_2(%arg0: i32) -> (i32, i32) {
    %c0_i32 = arith.constant 0 : i32
    %c0_i32_0 = arith.constant 0 : i32
    return %c0_i32, %arg0 : i32, i32
  }
  func.func @transform_3(%arg0: i32) -> (i32, i32) {
    %c0_i32 = arith.constant 0 : i32
    %c0_i32_0 = arith.constant 0 : i32
    return %arg0, %c0_i32 : i32, i32
  }
}

module attributes {stable_mosaic.version = 14 : i64} {
  func.func @_tc2_body(%arg0: i32, %arg1: memref<2x1024xf32, #tpu.memory_space<vmem>>, %arg2: memref<2x1024x128xf32, #tpu.memory_space<vmem>>, %arg3: memref<1024x128xf32, #tpu.memory_space<vmem>>, %arg4: memref<128x128xf32, #tpu.memory_space<vmem>>, %arg5: memref<1x128xf32, #tpu.memory_space<vmem>>, %arg6: memref<1024x128xf32, #tpu.memory_space<vmem>>) attributes {dimension_semantics = [#tpu.dimension_semantics<arbitrary>], iteration_bounds = array<i64: 10>, scalar_prefetch = 0 : i64, scratch_operands = 0 : i64, tpu.core_type = #tpu.core_type<tc>, window_params = [{transform_indices = @transform_0, window_bounds = array<i64: 2, 1024>}, {transform_indices = @transform_1, window_bounds = array<i64: 2, 1024, 128>}, {transform_indices = @transform_2, window_bounds = array<i64: 1024, 128>}, {pipeline_mode = #tpu.pipeline_mode<synchronous>, transform_indices = @transform_3, window_bounds = array<i64: 128, 128>}, {pipeline_mode = #tpu.pipeline_mode<synchronous>, transform_indices = @transform_4, window_bounds = array<i64: 1, 128>}, {transform_indices = @transform_5, window_bounds = array<i64: 1024, 128>}]} {
    %get3A = arith.constant 0 : index
    %get3A_0 = arith.constant 0 : index
    %get3A_1 = vector.load %arg1[%get3A, %get3A_0] : memref<2x1024xf32, #tpu.memory_space<vmem>>, vector<2x1024xf32>
    %reduce_sum3A = arith.constant dense<0.000000e+00> : vector<1024xf32>
    %reduce_sum3A_2 = vector.multi_reduction <add>, %get3A_1, %reduce_sum3A [0] : vector<2x1024xf32> to vector<1024xf32>
    %broadcast_in_dim3A = vector.shape_cast %reduce_sum3A_2 : vector<1024xf32> to vector<1x1024xf32>
    %add3A = arith.constant 1.000000e+00 : f32
    %add3A_3 = vector.broadcast %add3A : f32 to vector<1x1024xf32>
    %add3A_4 = arith.addf %broadcast_in_dim3A, %add3A_3 : vector<1x1024xf32>
    %rsqrt3A = math.rsqrt %add3A_4 : vector<1x1024xf32>
    %transpose3A = tpu.transpose %rsqrt3A, [1, 0] : vector<1x1024xf32> -> vector<1024x1xf32>
    %get3A_5 = arith.constant 0 : index
    %get3A_6 = arith.constant 0 : index
    %get3A_7 = arith.constant 0 : index
    %get3A_8 = vector.load %arg2[%get3A_5, %get3A_6, %get3A_7] : memref<2x1024x128xf32, #tpu.memory_space<vmem>>, vector<1x1024x128xf32>
    %get3A_9 = vector.shape_cast %get3A_8 : vector<1x1024x128xf32> to vector<1024x128xf32>
    %get3A_10 = arith.constant 1 : index
    %get3A_11 = arith.constant 0 : index
    %get3A_12 = arith.constant 0 : index
    %get3A_13 = vector.load %arg2[%get3A_10, %get3A_11, %get3A_12] : memref<2x1024x128xf32, #tpu.memory_space<vmem>>, vector<1x1024x128xf32>
    %get3A_14 = vector.shape_cast %get3A_13 : vector<1x1024x128xf32> to vector<1024x128xf32>
    %add3A_15 = arith.addf %get3A_9, %get3A_14 : vector<1024x128xf32>
    %get3A_16 = arith.constant 0 : index
    %get3A_17 = arith.constant 0 : index
    %get3A_18 = vector.load %arg3[%get3A_16, %get3A_17] : memref<1024x128xf32, #tpu.memory_space<vmem>>, vector<1024x128xf32>
    %add3A_19 = arith.addf %add3A_15, %get3A_18 : vector<1024x128xf32>
    %mul3A = vector.broadcast %transpose3A : vector<1024x1xf32> to vector<1024x128xf32>
    %mul3A_20 = arith.mulf %mul3A, %add3A_19 : vector<1024x128xf32>
    %get3A_21 = arith.constant 0 : index
    %get3A_22 = arith.constant 0 : index
    %get3A_23 = vector.load %arg5[%get3A_21, %get3A_22] : memref<1x128xf32, #tpu.memory_space<vmem>>, vector<1x128xf32>
    %add3A_24 = vector.broadcast %get3A_23 : vector<1x128xf32> to vector<1024x128xf32>
    %add3A_25 = arith.addf %mul3A_20, %add3A_24 : vector<1024x128xf32>
    %max3A = arith.constant 0.000000e+00 : f32
    %max3A_26 = vector.broadcast %max3A : f32 to vector<1024x128xf32>
    %max3A_27 = arith.maximumf %add3A_25, %max3A_26 : vector<1024x128xf32>
    %get3A_28 = arith.constant 0 : index
    %get3A_29 = arith.constant 0 : index
    %get3A_30 = vector.load %arg4[%get3A_28, %get3A_29] : memref<128x128xf32, #tpu.memory_space<vmem>>, vector<128x128xf32>
    %dot_general3A = arith.constant dense<0.000000e+00> : vector<1024x128xf32>
    %dot_general3A_31 = tpu.matmul %max3A_27, %get3A_30, %dot_general3A {dimension_numbers = #tpu.dot_dimension_numbers<[1], [0], [0], [1], [0, 0, 1, 1], [], []>, transpose_lhs_hint = false} : vector<1024x128xf32>, vector<128x128xf32>, vector<1024x128xf32> -> vector<1024x128xf32>
    %mul3A_32 = vector.broadcast %transpose3A : vector<1024x1xf32> to vector<1024x128xf32>
    %mul3A_33 = arith.mulf %mul3A_32, %dot_general3A_31 : vector<1024x128xf32>
    %swap3A = arith.constant 0 : index
    %swap3A_34 = arith.constant 0 : index
    %swap3A_35 = vector.load %arg6[%swap3A, %swap3A_34] : memref<1024x128xf32, #tpu.memory_space<vmem>>, vector<1024x128xf32>
    tpu.vector_store %arg6[%swap3A, %swap3A_34], %mul3A_33 {strides = array<i32>} : memref<1024x128xf32, #tpu.memory_space<vmem>>, vector<1024x128xf32>,
    return
  }
  func.func @transform_0(%arg0: i32) -> (i32, i32) {
    %c0_i32 = arith.constant 0 : i32
    %c0_i32_0 = arith.constant 0 : i32
    return %c0_i32, %arg0 : i32, i32
  }
  func.func @transform_1(%arg0: i32) -> (i32, i32, i32) {
    %c0_i32 = arith.constant 0 : i32
    %c0_i32_0 = arith.constant 0 : i32
    %c0_i32_1 = arith.constant 0 : i32
    return %c0_i32, %arg0, %c0_i32_0 : i32, i32, i32
  }
  func.func @transform_2(%arg0: i32) -> (i32, i32) {
    %c0_i32 = arith.constant 0 : i32
    %c0_i32_0 = arith.constant 0 : i32
    return %arg0, %c0_i32 : i32, i32
  }
  func.func @transform_3(%arg0: i32) -> (i32, i32) {
    %c0_i32 = arith.constant 0 : i32
    %c0_i32_0 = arith.constant 0 : i32
    %c0_i32_1 = arith.constant 0 : i32
    return %c0_i32, %c0_i32_0 : i32, i32
  }
  func.func @transform_4(%arg0: i32) -> (i32, i32) {
    %c0_i32 = arith.constant 0 : i32
    %c0_i32_0 = arith.constant 0 : i32
    %c0_i32_1 = arith.constant 0 : i32
    return %c0_i32, %c0_i32_0 : i32, i32
  }
  func.func @transform_5(%arg0: i32) -> (i32, i32) {
    %c0_i32 = arith.constant 0 : i32
    %c0_i32_0 = arith.constant 0 : i32
    return %arg0, %c0_i32 : i32, i32
  }
}

module attributes {stable_mosaic.version = 14 : i64} {
  func.func @_tc3_body(%arg0: i32, %arg1: memref<2x1024xf32, #tpu.memory_space<vmem>>, %arg2: memref<2x1024x128xf32, #tpu.memory_space<vmem>>, %arg3: memref<1024x128xf32, #tpu.memory_space<vmem>>, %arg4: memref<1x128xf32, #tpu.memory_space<vmem>>, %arg5: memref<1024x128xf32, #tpu.memory_space<vmem>>) attributes {dimension_semantics = [#tpu.dimension_semantics<arbitrary>], iteration_bounds = array<i64: 10>, scalar_prefetch = 0 : i64, scratch_operands = 0 : i64, tpu.core_type = #tpu.core_type<tc>, window_params = [{transform_indices = @transform_0, window_bounds = array<i64: 2, 1024>}, {transform_indices = @transform_1, window_bounds = array<i64: 2, 1024, 128>}, {transform_indices = @transform_2, window_bounds = array<i64: 1024, 128>}, {pipeline_mode = #tpu.pipeline_mode<synchronous>, transform_indices = @transform_3, window_bounds = array<i64: 1, 128>}, {transform_indices = @transform_4, window_bounds = array<i64: 1024, 128>}]} {
    %get3A = arith.constant 0 : index
    %get3A_0 = arith.constant 0 : index
    %get3A_1 = vector.load %arg1[%get3A, %get3A_0] : memref<2x1024xf32, #tpu.memory_space<vmem>>, vector<2x1024xf32>
    %reduce_sum3A = arith.constant dense<0.000000e+00> : vector<1024xf32>
    %reduce_sum3A_2 = vector.multi_reduction <add>, %get3A_1, %reduce_sum3A [0] : vector<2x1024xf32> to vector<1024xf32>
    %broadcast_in_dim3A = vector.shape_cast %reduce_sum3A_2 : vector<1024xf32> to vector<1x1024xf32>
    %add3A = arith.constant 1.000000e+00 : f32
    %add3A_3 = vector.broadcast %add3A : f32 to vector<1x1024xf32>
    %add3A_4 = arith.addf %broadcast_in_dim3A, %add3A_3 : vector<1x1024xf32>
    %rsqrt3A = math.rsqrt %add3A_4 : vector<1x1024xf32>
    %transpose3A = tpu.transpose %rsqrt3A, [1, 0] : vector<1x1024xf32> -> vector<1024x1xf32>
    %get3A_5 = arith.constant 0 : index
    %get3A_6 = arith.constant 0 : index
    %get3A_7 = arith.constant 0 : index
    %get3A_8 = vector.load %arg2[%get3A_5, %get3A_6, %get3A_7] : memref<2x1024x128xf32, #tpu.memory_space<vmem>>, vector<1x1024x128xf32>
    %get3A_9 = vector.shape_cast %get3A_8 : vector<1x1024x128xf32> to vector<1024x128xf32>
    %get3A_10 = arith.constant 1 : index
    %get3A_11 = arith.constant 0 : index
    %get3A_12 = arith.constant 0 : index
    %get3A_13 = vector.load %arg2[%get3A_10, %get3A_11, %get3A_12] : memref<2x1024x128xf32, #tpu.memory_space<vmem>>, vector<1x1024x128xf32>
    %get3A_14 = vector.shape_cast %get3A_13 : vector<1x1024x128xf32> to vector<1024x128xf32>
    %add3A_15 = arith.addf %get3A_9, %get3A_14 : vector<1024x128xf32>
    %get3A_16 = arith.constant 0 : index
    %get3A_17 = arith.constant 0 : index
    %get3A_18 = vector.load %arg3[%get3A_16, %get3A_17] : memref<1024x128xf32, #tpu.memory_space<vmem>>, vector<1024x128xf32>
    %add3A_19 = arith.addf %add3A_15, %get3A_18 : vector<1024x128xf32>
    %mul3A = vector.broadcast %transpose3A : vector<1024x1xf32> to vector<1024x128xf32>
    %mul3A_20 = arith.mulf %mul3A, %add3A_19 : vector<1024x128xf32>
    %get3A_21 = arith.constant 0 : index
    %get3A_22 = arith.constant 0 : index
    %get3A_23 = vector.load %arg4[%get3A_21, %get3A_22] : memref<1x128xf32, #tpu.memory_space<vmem>>, vector<1x128xf32>
    %add3A_24 = vector.broadcast %get3A_23 : vector<1x128xf32> to vector<1024x128xf32>
    %add3A_25 = arith.addf %mul3A_20, %add3A_24 : vector<1024x128xf32>
    %swap3A = arith.constant 0 : index
    %swap3A_26 = arith.constant 0 : index
    %swap3A_27 = vector.load %arg5[%swap3A, %swap3A_26] : memref<1024x128xf32, #tpu.memory_space<vmem>>, vector<1024x128xf32>
    tpu.vector_store %arg5[%swap3A, %swap3A_26], %add3A_25 {strides = array<i32>} : memref<1024x128xf32, #tpu.memory_space<vmem>>, vector<1024x128xf32>,
    return
  }
  func.func @transform_0(%arg0: i32) -> (i32, i32) {
    %c0_i32 = arith.constant 0 : i32
    %c0_i32_0 = arith.constant 0 : i32
    return %c0_i32, %arg0 : i32, i32
  }
  func.func @transform_1(%arg0: i32) -> (i32, i32, i32) {
    %c0_i32 = arith.constant 0 : i32
    %c0_i32_0 = arith.constant 0 : i32
    %c0_i32_1 = arith.constant 0 : i32
    return %c0_i32, %arg0, %c0_i32_0 : i32, i32, i32
  }
  func.func @transform_2(%arg0: i32) -> (i32, i32) {
    %c0_i32 = arith.constant 0 : i32
    %c0_i32_0 = arith.constant 0 : i32
    return %arg0, %c0_i32 : i32, i32
  }
  func.func @transform_3(%arg0: i32) -> (i32, i32) {
    %c0_i32 = arith.constant 0 : i32
    %c0_i32_0 = arith.constant 0 : i32
    %c0_i32_1 = arith.constant 0 : i32
    return %c0_i32, %c0_i32_0 : i32, i32
  }
  func.func @transform_4(%arg0: i32) -> (i32, i32) {
    %c0_i32 = arith.constant 0 : i32
    %c0_i32_0 = arith.constant 0 : i32
    return %arg0, %c0_i32 : i32, i32
  }
}

</mosaic_0001>

<sc_bundles>
// kernel: kernel.11.cloned.1.call-start
scs
__scs_entry_jumppad:
0x0: {  	(pc) =	sbr.rel $0x88, $3  }
0x1: {  	(tag) =	ssettag $0x0;
	lr =	simm.s32 $0x1  }
0x2: {  	[smem:$0x3F9B] =	sst lr;
	_ =	strace $0xD0000000  }
0x3: {  	_ = 	snop  }
0x4: {  	_ = 	snop  }
0x5: {  	_ = 	snop  }
0x6: {  	_ = 	snop  }
0x7: {  	_ = 	snop  }
__scs_overlays_trampoline_lowered:
0x8: {  	[smem:$0x3FAA] =	sst s0  }
0x9: {  	[smem:$0x3FAB] =	sst s1  }
0xa: {  	[smem:$0x3FAC] =	sst s2  }
0xb: {  	[smem:$0x3FAD] =	sst s3  }
0xc: {  	[smem:$0x3FAE] =	sst s4  }
0xd: {  	[smem:$0x3FAF] =	sst s5  }
0xe: {  	[smem:$0x3FB0] =	sst s6  }
0xf: {  	[smem:$0x3FB1] =	sst s7  }
0x10: {  	[smem:$0x3FB2] =	sst s8  }
0x11: {  	[smem:$0x3FB3] =	sst s9;
	s0 =	simm.s32 @!p0 $0x0  }
0x12: {  	s1 =	sld [smem:$0x3F99];
	s0 =	simm.s32 @p0 $0x1  }
0x13: {  	[smem:$0x3FB4] =	sst s0;
	s0 =	simm.s32 @!p1 $0x0  }
0x14: {  	s2 =	sld [smem:$0x3F98];
	s0 =	simm.s32 @p1 $0x1  }
0x15: {  	[smem:$0x3FB5] =	sst s0;
	s0 =	simm.s32 @!p2 $0x0  }
0x16: {  	s3 =	sld [smem:$0x3FDB];
	s0 =	simm.s32 @p2 $0x1  }
0x17: {  	s4 =	simm.s32 $0x1BF5;
	[smem:$0x3FB7] =	sst s0  }
0x18: {  	s0 =	sld [smem:$0x3F9A];
	_ =	swait.ge [sflag:s4], $0x0  }
0x19: {  	s7 =	sld [smem:$0x3F9B]  }
0x1a: {  	s8 =	sadd.s32 $0xFFFFE003, lr  }
0x1b: {  	s9 =	sadd.s32 $0xFFFFFEF7, lr;
	s5 =	simm.s32 $0xFFFFFFFF;
	p2 =	slt.u32 s8, $0xFFFFF086  }
0x1c: {  	p1 =	slt.u32 s9, $0xF7A;
	s5 =	simm.s32 @!p2 $0x0  }
0x1d: {  	s5 =	simm.s32 @p1 $0x1;
	p0 =	seq.s32 s7, s2  }
0x1e: {  	s7 =	smul.u32 @!p0 $0xF7A, s2;
	p2 =	seq.s32 @!p0 s5, $0x0  }
0x1f: {  	s9 =	smul.u32 $0xF7A, s1;
	s8 =	simm.s32 @!p0 $0x1BF5;
	p2 =	por !p2, p0  }
0x20: {  	[sflag:s8] =	ssyncset.s32 @!p0 $0xFFFFF086;
	s6 =	sadd.s32 @!p0 s3, s7;
	s7 =	simm.s32 @!p0 $0x108  }
0x21: {  	s3 =	sadd.s32 s3, s9;
	s6 =	sadd.s32 @!p0 $0x88, s6;
	s7 =	simm.s32 @p2 $0x1082  }
0x22: {  	[simem:s7], [sflag:s8] =	dma.local @!p0 [hbm:s6], $0xF7A  }
0x23: {  	s9 =	sor.u32 $0xD0000000, s2;
	s6 =	simm.s32 $0x108;
	_ =	swait.ge @!p0 [sflag:s8], $0x0  }
0x24: {  	s3 =	sadd.s32 $0x88, s3;
	s6 =	simm.s32 @!p1 $0x1082;
	[sflag:s4] =	ssyncset.s32 $0xFFFFF086  }
0x25: {  	[simem:s6], [sflag:s4] =	dma.local [hbm:s3], $0xF7A  }
0x26: {  	[smem:$0x3F9B] =	sst s1;
	(tag) =	ssettag s2;
	_ =	strace s9  }
0x27: {  	s1 =	sld [smem:$0x3FAB]  }
0x28: {  	s2 =	sld [smem:$0x3FAC]  }
0x29: {  	s4 =	sld [smem:$0x3FAE]  }
0x2a: {  	p0 =	seq.s32 s5, $0x0;
	s5 =	sld [smem:$0x3FAF]  }
0x2b: {  	s6 =	sld [smem:$0x3FB0]  }
0x2c: {  	s7 =	sld [smem:$0x3FB1]  }
0x2d: {  	s3 =	simm.s32 $0x108;
	s8 =	sld [smem:$0x3FB2]  }
0x2e: {  	s3 =	simm.s32 @!p0 $0x1082;
	s9 =	sld [smem:$0x3FB3]  }
0x2f: {  	lr =	sadd.s32 s0, s3;
	s0 =	sld [smem:$0x3FAA]  }
0x30: {  	s3 =	sld [smem:$0x3FAD]  }
0x31: {  	[smem:$0x3FB6] =	sst s10  }
0x32: {  	s10 =	sld [smem:$0x3FB4];
	_ =	sdelay $0x3  }
0x33: {  	p0 =	seq.s32 s10, $0x1;
	s10 =	sld [smem:$0x3FB6];
	_ =	sdelay $0x3  }
0x34: {  	[smem:$0x3FB6] =	sst s10  }
0x35: {  	s10 =	sld [smem:$0x3FB5];
	_ =	sdelay $0x3  }
0x36: {  	p1 =	seq.s32 s10, $0x1;
	s10 =	sld [smem:$0x3FB6];
	_ =	sdelay $0x3  }
0x37: {  	[smem:$0x3FB6] =	sst s10  }
0x38: {  	s10 =	sld [smem:$0x3FB7]  }
0x39: {  	_ = 	snop;
	(pc) =	sbr.ind lr, $3  }
0x3a: {  	_ = 	snop  }
0x3b: {  	_ = 	snop  }
0x3c: {  	p2 =	seq.s32 s10, $0x1;
	s10 =	sld [smem:$0x3FB6]  }
0x3d: {  	_ =	shalt  }
0x3e: {  	_ =	shalt  }
0x3f: {  	_ =	shalt  }
0x40: {  	_ =	shalt  }
0x41: {  	_ =	shalt  }
0x42: {  	_ =	shalt  }
0x43: {  	_ =	shalt  }
0x44: {  	_ =	shalt  }
0x45: {  	_ =	shalt  }
0x46: {  	_ =	shalt  }
0x47: {  	_ =	shalt  }
0x48: {  	_ =	shalt  }
0x49: {  	_ =	shalt  }
0x4a: {  	_ =	shalt  }
0x4b: {  	_ =	shalt  }
0x4c: {  	_ =	shalt  }
0x4d: {  	_ =	shalt  }
0x4e: {  	_ =	shalt  }
0x4f: {  	_ =	shalt  }
0x50: {  	_ =	shalt  }
0x51: {  	_ =	shalt  }
0x52: {  	_ =	shalt  }
0x53: {  	_ =	shalt  }
0x54: {  	_ =	shalt  }
0x55: {  	_ =	shalt  }
0x56: {  	_ =	shalt  }
0x57: {  	_ =	shalt  }
0x58: {  	_ =	shalt  }
0x59: {  	_ =	shalt  }
0x5a: {  	_ =	shalt  }
0x5b: {  	_ =	shalt  }
0x5c: {  	_ =	shalt  }
0x5d: {  	_ =	shalt  }
0x5e: {  	_ =	shalt  }
0x5f: {  	_ =	shalt  }
0x60: {  	_ =	shalt  }
0x61: {  	_ =	shalt  }
0x62: {  	_ =	shalt  }
0x63: {  	_ =	shalt  }
0x64: {  	_ =	shalt  }
0x65: {  	_ =	shalt  }
0x66: {  	_ =	shalt  }
0x67: {  	_ =	shalt  }
0x68: {  	_ =	shalt  }
0x69: {  	_ =	shalt  }
0x6a: {  	_ =	shalt  }
0x6b: {  	_ =	shalt  }
0x6c: {  	_ =	shalt  }
0x6d: {  	_ =	shalt  }
0x6e: {  	_ =	shalt  }
0x6f: {  	_ =	shalt  }
0x70: {  	_ =	shalt  }
0x71: {  	_ =	shalt  }
0x72: {  	_ =	shalt  }
0x73: {  	_ =	shalt  }
0x74: {  	_ =	shalt  }
0x75: {  	_ =	shalt  }
0x76: {  	_ =	shalt  }
0x77: {  	_ =	shalt  }
0x78: {  	_ =	shalt  }
0x79: {  	_ =	shalt  }
0x7a: {  	_ =	shalt  }
0x7b: {  	_ =	shalt  }
0x7c: {  	_ =	shalt  }
0x7d: {  	_ =	shalt  }
0x7e: {  	_ =	shalt  }
0x7f: {  	_ =	shalt  }
0x80: {  	_ =	shalt  }
0x81: {  	_ =	shalt  }
0x82: {  	_ =	shalt  }
0x83: {  	_ =	shalt  }
0x84: {  	_ =	shalt  }
0x85: {  	_ =	shalt  }
0x86: {  	_ =	shalt  }
0x87: {  	_ =	shalt  }
.Lfunc_end0:
.L_simem_size_0:
called_computation.1_lowered:
.L_overlay_start_0:
0x88: {  	s2 =	sld [smem:$0x3FD9]  }
0x89: {  	s3 =	sld [smem:$0x3FFE];
	_ =	sdelay $0x1  }
0x8a: {  	s1 =	srdreg.scid  }
0x8b: {  	s0 =	sand.u32 $0x1, s1  }
0x8c: {  	s17 =	sshll.u32 s0, $0xA;
	s2 =	sadd.s32 s3, s2  }
0x8d: {  	s2 =	sadd.s32 s2, s17  }
0x8e: {  	[smem:$0x3FC2] =	sst s2  }
0x8f: {  	_ = 	snop  }
0x90: {  	s2 =	sld [smem:$0x3FD0];
	(tm) =	ssettm $0x1  }
0x91: {  	s18 =	sld [smem:$0x3FFB];
	_ =	sdelay $0x3  }
0x92: {  	_ =	strace s18  }
0x93: {  	s3 =	sld [smem:$0x3FFC];
	_ =	sdelay $0x3  }
0x94: {  	_ =	strace s3  }
0x95: {  	s3 =	sld [smem:$0x3FFD];
	_ =	sdelay $0x3  }
0x96: {  	_ =	strace s3  }
0x97: {  	_ =	strace $0x8FFFFFFF  }
0x98: {  	s19 =	sld [smem:$0x3FDB];
	_ =	sdelay $0x1  }
0x99: {  	s4 =	simm.s32 $_scs_section_size  }
0x9a: {  	s5 =	simm.s32 $_size__tile_overlayer_lowered;
	s6 =	simm.s32 $_tile_overlayer_lowered  }
0x9b: {  	s22 =	simm.s32 $0x1BFF;
	s21 =	sshll.u32 s6, $0x1;
	s3 =	sadd.s32 s4, s19  }
0x9c: {  	s7 =	simm.s32 $0x0;
	s20 =	sshll.u32 s5, $0x1;
	s5 =	sadd.s32 s21, s3  }
0x9d: {  	[timem:s7], [sflag:s22] =	dma.local [hbm:s5], s20  }
0x9e: {  	_ =	swait.ge [sflag:s22], s20  }
0x9f: {  	s4 =	ssub.s32 $0x0, s20;
	[sflag:s22] =	ssyncset.done $0x0  }
0xa0: {  	[sflag:s22] =	ssyncadd.s32 s4;
	_ =	sdelay $0x1  }
0xa1: {  	s23 =	simm.s32 $0x1B8B  }
0xa2: {  	_ =	swait.ge [sflag:s23], $0x1  }
0xa3: {  	[sflag:s23] =	ssyncset.done $0x0  }
0xa4: {  	s25 =	simm.s32 $0x1B8E;
	s24 =	sld [smem:$0x3FFE];
	[sflag:s23] =	ssyncadd.s32 $0xFFFFFFFF  }
0xa5: {  	s26 =	simm.s32 $execute0_lowered;
	[smem:$0x3FD2] =	sst s25  }
0xa6: {  	s5 =	sshll.u32 s26, $0x1;
	_ =	strace $0x80000049;
	[dreg:$0x1] =	wrdreg $0xFFFFFFFF  }
0xa7: {  	s28 =	simm.s32 $_size_execute0_lowered;
	s3 =	sadd.s32 s3, s5;
	[dreg:$0x0] =	wrdreg $0x0  }
0xa8: {  	s5 =	sshll.u32 s28, $0x1;
	[dreg:$0x2] =	wrdreg s3  }
0xa9: {  	[dreg:$0x3] =	wrdreg s5  }
0xaa: {  	[dreg:$0x4] =	wrdreg $0xC0  }
0xab: {  	_ =	task [dreg:s7], $0x5FFFF  }
0xac: {  	[dreg:$0x1] =	wrdreg $0xFFFFFFFF  }
0xad: {  	[dreg:$0x0] =	wrdreg $0x60  }
0xae: {  	[dreg:$0x2] =	wrdreg s24  }
0xaf: {  	[dreg:$0x3] =	wrdreg s2  }
0xb0: {  	[dreg:$0x4] =	wrdreg $0xB0000  }
0xb1: {  	[dreg:$0x5] =	wrdreg $0x9  }
0xb2: {  	_ =	task.clear_ibuf [dreg:s7], $0x6FFFF;
	_ =	strace $0x90000049  }
0xb3: {  	s29 =	simm.s32 $0x9;
	_ =	strace $0x8000004B  }
0xb4: {  	_ =	swait.ge [sflag:s29], $0x1  }
0xb5: {  	[sflag:s29] =	ssyncadd.s32 $0xFFFFFFFF  }
0xb6: {  	_ =	strace $0x9000004B  }
0xb7: {  	_ =	sfence  }
0xb8: {  	s30 =	sld [smem:$0x0];
	_ =	sdelay $0x2  }
0xb9: {  	s31 =	sshll.u32 s1, $0xD;
	s1 =	sshrl.u32 s1, $0x2  }
0xba: {  	s3 =	sand.u32 $0x4000, s31;
	s1 =	sadd.s32 s1, s30  }
0xbb: {  	s0 =	sor.u32 s3, s0;
	s1 =	sshll.u32 s1, $0x11  }
0xbc: {  	s0 =	sor.u32 s1, s0  }
0xbd: {  	s0 =	sadd.s32 $0x8F2B, s0  }
0xbe: {  	[sflag:s0] =	ssyncadd.remote.s32 $0x1  }
0xbf: {  	_ =	sfence.sel $0xFFFF  }
0xc0: {  	[dreg:$0x0] =	wrdreg $0xFFFFFFFF;
	(pc) =	sbr.abs _section_cstart, $3  }
0xc1: {  	[dreg:$0x1] =	wrdreg $0xFFFFFFFF  }
0xc2: {  	_ =	task.clear_ibuf [dreg:s7], $0x2FFFF;
	_ =	strace $0x9FFFFFFF  }
0xc3: {  	(tm) =	ssettm $0x7FFFFFFF  }
tec
execute0_lowered:
.L_overlay_start_1:
0x0: {  	(tag) =	ssettag $0x1  }
0x1: {  	s5 =	rddreg [dreg:$0x0]  }
0x2: {  	s7 =	rddreg [dreg:$0x1]  }
0x3: {  	s1 =	rddreg [dreg:$0x2]  }
0x4: {  	s0 =	rddreg [dreg:$0x3];
	s2 =	simm.s32 $0x0  }
0x5: {  	s3 =	srdreg.scid;
	s13 =	simm.s32 $0x50;
	s14 =	simm.s32 $0x8000  }
0x6: {  	[smem:$0x7FF] =	sst s2;
	s6 =	sand.u32 $0x1, s3;
	s3 =	stileid.u32  }
0x7: {  	s4 =	sadd.s32 $0x2000, s5;
	_ =	strace $0x8000004A;
	s8 =	smul.u32 $0x140000, s6  }
0x8: {  	s9 =	sshll.u32 s3, $0xC;
	s10 =	sshll.u32 s6, $0xB;
	s11 =	smul.u32 $0x14000, s3  }
0x9: {  	s30 =	smul.u32 $0x50000, s3;
	s6 =	ssub.s32 $0x2, s6;
	s15 =	sshll.u32 s3, $0x6  }
0xa: {  	s9 =	sor.u32 s10, s9;
	s31 =	sshrl.u32 s6, $0x1;
	s15 =	sor.u32 $0x1C01, s15  }
0xb: {  	s12 =	sadd.s32 s9, s5;
	s8 =	sadd.s32 s11, s8;
	s10 =	sshrl.u32 s30, $0x2  }
0xc: {  	s11 =	ssub.s32 s6, s31;
	s7 =	sadd.s32 s7, s9;
	s8 =	sshrl.u32 s8, $0x3  }
0xd: {  	s6 =	sadd.s32 $0x52000, s12;
	s9 =	smax.u32 s11, $0x1;
	s11 =	simm.s32 $0x1  }
0xe: {  	s12 =	simm.s32 $0x4000;
	s8 =	sadd.s32 s8, s5;
	s5 =	sadd.s32 s10, s1  }
0xf: {  	v0 =	vimm.f32 $0.0e+00;
	s10 =	simm.s32 $0xA800;
	s8 =	sadd.s32 $0x62000, s8;
	s16 =	sshrl.u32 s5, $0x3  }
.LBB2_1:
0x10: {  	s17 =	simm.s32 $0x0;
	s18 =	simm.s32 $0x200  }
.LBB2_2:
0x11: {  	p0 =	sne.s32 s18, $0x1E00;
	[tilespmem:s17+$0xA870] =	vst v0  }
0x12: {  	[tilespmem:s17+$0xA800] =	vst v0  }
0x13: {  	[tilespmem:s17+$0xA810] =	vst v0  }
.Ltmp0:
0x14: {  	[tilespmem:s17+$0xA820] =	vst v0;
	(pc) =	sbr.rel @p0 .LBB2_2-.Ltmp0, $4  }
0x15: {  	[tilespmem:s17+$0xA830] =	vst v0  }
0x16: {  	[tilespmem:s17+$0xA840] =	vst v0  }
0x17: {  	[tilespmem:s17+$0xA850] =	vst v0  }
0x18: {  	[tilespmem:s17+$0xA860] =	vst v0;
	s17 =	sshra.s32 s18, $0x2;
	s18 =	sadd.s32 $0x200, s18  }
0x19: {  	[tilespmem:s17+$0xA870] =	vst v0  }
0x1a: {  	[tilespmem:s17+$0xA800] =	vst v0  }
0x1b: {  	[tilespmem:s17+$0xA810] =	vst v0  }
0x1c: {  	[tilespmem:s17+$0xA820] =	vst v0  }
0x1d: {  	[tilespmem:s17+$0xA830] =	vst v0  }
0x1e: {  	[tilespmem:s17+$0xA840] =	vst v0  }
0x1f: {  	[tilespmem:s17+$0xA850] =	vst v0  }
0x20: {  	[tilespmem:s17+$0xA860] =	vst v0;
	s31 =	sadd.s32 $0x0, s5  }
0x21: {  	[spmem:s31] =	stream.linear.scatter [tilespmem:s10], [sflag:$0x1], $0x800, $0x38;
	[tilespmem:$0x1F000] =	vst v63  }
0x22: {  	s17 =	simm.s32 $0x2000;
	_ =	swait.ge [sflag:s11], $0x800  }
.LBB2_4:
0x23: {  	s18 =	sshra.s32 s17, $0x2;
	[sflag:s11] =	ssyncset.done $0x0;
	p0 =	sne.s32 s17, $0x4E000  }
.Ltmp1:
0x24: {  	s18 =	sadd.s32 s18, s5;
	[sflag:s11] =	ssyncadd.s32 $0xFFFFF800;
	(pc) =	sbr.rel @p0 .LBB2_4-.Ltmp1, $3  }
0x25: {  	[spmem:s18] =	stream.linear.scatter [tilespmem:s10], [sflag:$0x1], $0x800, $0x38;
	[tilespmem:$0x1F000] =	vst v63  }
0x26: {  	s17 =	sadd.s32 $0x2000, s17;
	_ =	sdelay $0x1  }
0x27: {  	_ =	swait.ge [sflag:s11], $0x800  }
0x28: {  	[sflag:s11] =	ssyncset.done $0x0  }
0x29: {  	[sflag:s11] =	ssyncadd.s32 $0xFFFFF800  }
0x2a: {  	s17 =	simm.s32 $0x0;
	[bflag:$0x0] =	sbarrier.arrive $0xFFFF  }
0x2b: {  	[tilespmem:s17], [sflag:$0x1] =	stream.linear.gather [hbm4b:s6+s17], $0x3E80, $0x38;
	[tilespmem:$0x1F000] =	vst v63  }
0x2c: {  	_ =	swait.ge [sflag:s11], $0x3E80  }
0x2d: {  	[sflag:s11] =	ssyncset.done $0x0  }
0x2e: {  	[sflag:s11] =	ssyncadd.s32 $0xFFFFC180  }
0x2f: {  	[tilespmem:s12], [sflag:$0x1] =	stream.linear.gather [hbm4b:s7+s17], $0x3E80, $0x38;
	[tilespmem:$0x1F000] =	vst v63  }
0x30: {  	_ =	swait.ge [sflag:s11], $0x3E80  }
0x31: {  	[sflag:s11] =	ssyncset.done $0x0  }
0x32: {  	s30 =	simm.s32 $0x0;
	[sflag:s11] =	ssyncadd.s32 $0xFFFFC180  }
0x33: {  	[tilespmem:s14], [sflag:$0x1] =	stream.indirect.gather [hbm4b:s4+s13], $0x80, s30, s13, $0xb8;
	[tilespmem:$0x1F000] =	vst v63  }
0x34: {  	_ =	swait.ge [sflag:s11], $0x2800  }
0x35: {  	[sflag:s11] =	ssyncset.done $0x0  }
0x36: {  	s31 =	simm.s32 $0x4000;
	[sflag:s11] =	ssyncadd.s32 $0xFFFFD800  }
0x37: {  	[spmem:s1] =	stream.indirect.scatter.add.f32 [tilespmem:s14], [sflag:$0x1], $0x80, s31, s13, $0xb8;
	[tilespmem:$0x1F000] =	vst v63  }
0x38: {  	_ =	swait.ge [sflag:s11], $0x2800  }
0x39: {  	s18 =	simm.s32 $0x400;
	s17 =	simm.s32 $0x200;
	[sflag:s11] =	ssyncset.done $0x0  }
.LBB2_6:
0x3a: {  	s19 =	sshra.s32 s17, $0x2  }
0x3b: {  	[sflag:s11] =	ssyncadd.s32 $0xFFFFD800;
	s17 =	smov.u32 s18;
	s20 =	sadd.s32 $0x200, s18  }
0x3c: {  	[tilespmem:s14], [sflag:$0x1] =	stream.indirect.gather [hbm4b:s4+s13], $0x80, s19, s13, $0xb8;
	[tilespmem:$0x1F000] =	vst v63  }
0x3d: {  	p0 =	sne.s32 s18, $0xF800;
	_ =	swait.ge [sflag:s11], $0x2800  }
.Ltmp2:
0x3e: {  	[sflag:s11] =	ssyncset.done $0x0;
	(pc) =	sbr.rel @p0 .LBB2_6-.Ltmp2, $4  }
0x3f: {  	s18 =	sadd.s32 $0x4000, s19;
	[sflag:s11] =	ssyncadd.s32 $0xFFFFD800  }
0x40: {  	[spmem:s1] =	stream.indirect.scatter.add.f32 [tilespmem:s14], [sflag:$0x1], $0x80, s18, s13, $0xb8;
	[tilespmem:$0x1F000] =	vst v63  }
0x41: {  	_ =	swait.ge [sflag:s11], $0x2800  }
0x42: {  	s18 =	smov.u32 s20;
	[sflag:s11] =	ssyncset.done $0x0  }
0x43: {  	s17 =	sshra.s32 s17, $0x2;
	[sflag:s11] =	ssyncadd.s32 $0xFFFFD800  }
0x44: {  	[tilespmem:s14], [sflag:$0x1] =	stream.indirect.gather [hbm4b:s4+s13], $0x80, s17, s13, $0xb8;
	[tilespmem:$0x1F000] =	vst v63  }
0x45: {  	_ =	swait.ge [sflag:s11], $0x2800  }
0x46: {  	[sflag:s11] =	ssyncset.done $0x0  }
0x47: {  	s17 =	sadd.s32 $0x4000, s17;
	[sflag:s11] =	ssyncadd.s32 $0xFFFFD800  }
0x48: {  	[spmem:s1] =	stream.indirect.scatter.add.f32 [tilespmem:s14], [sflag:$0x1], $0x80, s17, s13, $0xb8;
	[tilespmem:$0x1F000] =	vst v63  }
0x49: {  	_ =	swait.ge [sflag:s11], $0x2800  }
0x4a: {  	s2 =	sadd.s32 $0x1, s2;
	[sflag:s11] =	ssyncset.done $0x0  }
0x4b: {  	p0 =	sne.s32 s2, s9;
	[sflag:s11] =	ssyncadd.s32 $0xFFFFD800  }
.Ltmp3:
0x4c: {  	[bflag:$0x0] =	sbarrier.arrive $0xFFFF;
	(pc) =	sbr.rel @p0 .LBB2_1-.Ltmp3, $4  }
0x4d: {  	[hbm:s8], [sflag:s15] =	dma.local [spmem:s16], $0x2800  }
0x4e: {  	_ =	swait.ge [sflag:s11], $0x2800  }
0x4f: {  	[sflag:s11] =	ssyncset.done $0x0  }
0x50: {  	[sflag:s11] =	ssyncadd.s32 $0xFFFFD800  }
0x51: {  	_ =	sfence.sel $0x180000  }
0x52: {  	[bflag:$0x0] =	sbarrier.arrive $0xFFFF  }
0x53: {  	p0 =	sne.s32 s3, $0x0;
	_ =	strace $0x9000004A  }
0x54: {  	s0 =	sadd.s32 @!p0 $0x100000, s0;
	[bflag:$0x2] =	sbarrier.arrive $0xFFFF  }
0x55: {  	[sflag:s0] =	ssyncadd.tile.s32 @!p0 $0x1;
	_ =	shalt  }
.Lfunc_end2:
_tile_overlayer_lowered:
.L_overlay_start_2:
0x56: {  	(tag) =	ssettag $0x2  }
0x57: {  	s0 =	rddreg [dreg:$0x0];
	s2 =	stileid.u32  }
0x58: {  	s1 =	rddreg [dreg:$0x1];
	p0 =	sne.s32 s2, $0x0  }
0x59: {  	s3 =	rddreg [dreg:$0x2];
	[bflag:$0x3] =	sbarrier.arrive $0xFFFF;
	s2 =	simm.s32 @!p0 $0x1C01  }
0x5a: {  	[timem:s3], [sflag:s2] =	dma.local @!p0 [hbm:s0], s1  }
0x5b: {  	s0 =	simm.s32 @!p0 $0x1  }
0x5c: {  	_ =	swait.ge @!p0 [sflag:s0], s1  }
0x5d: {  	s1 =	ssub.s32 @!p0 $0x0, s1;
	[sflag:s0] =	ssyncset.done @!p0 $0x0  }
0x5e: {  	[sflag:s0] =	ssyncadd.s32 @!p0 s1  }
0x5f: {  	[bflag:$0x3] =	sbarrier.arrive $0xFFFF  }
0x60: {  	_ =	shalt  }

// kernel: kernel.14.cloned.1.call-start
scs
__scs_entry_jumppad:
0x0: {  	(pc) =	sbr.rel $0x88, $3  }
0x1: {  	(tag) =	ssettag $0x0;
	lr =	simm.s32 $0x1  }
0x2: {  	[smem:$0x3F9B] =	sst lr;
	_ =	strace $0xD0000000  }
0x3: {  	_ = 	snop  }
0x4: {  	_ = 	snop  }
0x5: {  	_ = 	snop  }
0x6: {  	_ = 	snop  }
0x7: {  	_ = 	snop  }
__scs_overlays_trampoline_lowered:
0x8: {  	[smem:$0x3FAA] =	sst s0  }
0x9: {  	[smem:$0x3FAB] =	sst s1  }
0xa: {  	[smem:$0x3FAC] =	sst s2  }
0xb: {  	[smem:$0x3FAD] =	sst s3  }
0xc: {  	[smem:$0x3FAE] =	sst s4  }
0xd: {  	[smem:$0x3FAF] =	sst s5  }
0xe: {  	[smem:$0x3FB0] =	sst s6  }
0xf: {  	[smem:$0x3FB1] =	sst s7  }
0x10: {  	[smem:$0x3FB2] =	sst s8  }
0x11: {  	[smem:$0x3FB3] =	sst s9;
	s0 =	simm.s32 @!p0 $0x0  }
0x12: {  	s1 =	sld [smem:$0x3F99];
	s0 =	simm.s32 @p0 $0x1  }
0x13: {  	[smem:$0x3FB4] =	sst s0;
	s0 =	simm.s32 @!p1 $0x0  }
0x14: {  	s2 =	sld [smem:$0x3F98];
	s0 =	simm.s32 @p1 $0x1  }
0x15: {  	[smem:$0x3FB5] =	sst s0;
	s0 =	simm.s32 @!p2 $0x0  }
0x16: {  	s3 =	sld [smem:$0x3FDB];
	s0 =	simm.s32 @p2 $0x1  }
0x17: {  	s4 =	simm.s32 $0x1BF5;
	[smem:$0x3FB7] =	sst s0  }
0x18: {  	s0 =	sld [smem:$0x3F9A];
	_ =	swait.ge [sflag:s4], $0x0  }
0x19: {  	s7 =	sld [smem:$0x3F9B]  }
0x1a: {  	s8 =	sadd.s32 $0xFFFFE003, lr  }
0x1b: {  	s9 =	sadd.s32 $0xFFFFFEF7, lr;
	s5 =	simm.s32 $0xFFFFFFFF;
	p2 =	slt.u32 s8, $0xFFFFF086  }
0x1c: {  	p1 =	slt.u32 s9, $0xF7A;
	s5 =	simm.s32 @!p2 $0x0  }
0x1d: {  	s5 =	simm.s32 @p1 $0x1;
	p0 =	seq.s32 s7, s2  }
0x1e: {  	s7 =	smul.u32 @!p0 $0xF7A, s2;
	p2 =	seq.s32 @!p0 s5, $0x0  }
0x1f: {  	s9 =	smul.u32 $0xF7A, s1;
	s8 =	simm.s32 @!p0 $0x1BF5;
	p2 =	por !p2, p0  }
0x20: {  	[sflag:s8] =	ssyncset.s32 @!p0 $0xFFFFF086;
	s6 =	sadd.s32 @!p0 s3, s7;
	s7 =	simm.s32 @!p0 $0x108  }
0x21: {  	s3 =	sadd.s32 s3, s9;
	s6 =	sadd.s32 @!p0 $0x88, s6;
	s7 =	simm.s32 @p2 $0x1082  }
0x22: {  	[simem:s7], [sflag:s8] =	dma.local @!p0 [hbm:s6], $0xF7A  }
0x23: {  	s9 =	sor.u32 $0xD0000000, s2;
	s6 =	simm.s32 $0x108;
	_ =	swait.ge @!p0 [sflag:s8], $0x0  }
0x24: {  	s3 =	sadd.s32 $0x88, s3;
	s6 =	simm.s32 @!p1 $0x1082;
	[sflag:s4] =	ssyncset.s32 $0xFFFFF086  }
0x25: {  	[simem:s6], [sflag:s4] =	dma.local [hbm:s3], $0xF7A  }
0x26: {  	[smem:$0x3F9B] =	sst s1;
	(tag) =	ssettag s2;
	_ =	strace s9  }
0x27: {  	s1 =	sld [smem:$0x3FAB]  }
0x28: {  	s2 =	sld [smem:$0x3FAC]  }
0x29: {  	s4 =	sld [smem:$0x3FAE]  }
0x2a: {  	p0 =	seq.s32 s5, $0x0;
	s5 =	sld [smem:$0x3FAF]  }
0x2b: {  	s6 =	sld [smem:$0x3FB0]  }
0x2c: {  	s7 =	sld [smem:$0x3FB1]  }
0x2d: {  	s3 =	simm.s32 $0x108;
	s8 =	sld [smem:$0x3FB2]  }
0x2e: {  	s3 =	simm.s32 @!p0 $0x1082;
	s9 =	sld [smem:$0x3FB3]  }
0x2f: {  	lr =	sadd.s32 s0, s3;
	s0 =	sld [smem:$0x3FAA]  }
0x30: {  	s3 =	sld [smem:$0x3FAD]  }
0x31: {  	[smem:$0x3FB6] =	sst s10  }
0x32: {  	s10 =	sld [smem:$0x3FB4];
	_ =	sdelay $0x3  }
0x33: {  	p0 =	seq.s32 s10, $0x1;
	s10 =	sld [smem:$0x3FB6];
	_ =	sdelay $0x3  }
0x34: {  	[smem:$0x3FB6] =	sst s10  }
0x35: {  	s10 =	sld [smem:$0x3FB5];
	_ =	sdelay $0x3  }
0x36: {  	p1 =	seq.s32 s10, $0x1;
	s10 =	sld [smem:$0x3FB6];
	_ =	sdelay $0x3  }
0x37: {  	[smem:$0x3FB6] =	sst s10  }
0x38: {  	s10 =	sld [smem:$0x3FB7]  }
0x39: {  	_ = 	snop;
	(pc) =	sbr.ind lr, $3  }
0x3a: {  	_ = 	snop  }
0x3b: {  	_ = 	snop  }
0x3c: {  	p2 =	seq.s32 s10, $0x1;
	s10 =	sld [smem:$0x3FB6]  }
0x3d: {  	_ =	shalt  }
0x3e: {  	_ =	shalt  }
0x3f: {  	_ =	shalt  }
0x40: {  	_ =	shalt  }
0x41: {  	_ =	shalt  }
0x42: {  	_ =	shalt  }
0x43: {  	_ =	shalt  }
0x44: {  	_ =	shalt  }
0x45: {  	_ =	shalt  }
0x46: {  	_ =	shalt  }
0x47: {  	_ =	shalt  }
0x48: {  	_ =	shalt  }
0x49: {  	_ =	shalt  }
0x4a: {  	_ =	shalt  }
0x4b: {  	_ =	shalt  }
0x4c: {  	_ =	shalt  }
0x4d: {  	_ =	shalt  }
0x4e: {  	_ =	shalt  }
0x4f: {  	_ =	shalt  }
0x50: {  	_ =	shalt  }
0x51: {  	_ =	shalt  }
0x52: {  	_ =	shalt  }
0x53: {  	_ =	shalt  }
0x54: {  	_ =	shalt  }
0x55: {  	_ =	shalt  }
0x56: {  	_ =	shalt  }
0x57: {  	_ =	shalt  }
0x58: {  	_ =	shalt  }
0x59: {  	_ =	shalt  }
0x5a: {  	_ =	shalt  }
0x5b: {  	_ =	shalt  }
0x5c: {  	_ =	shalt  }
0x5d: {  	_ =	shalt  }
0x5e: {  	_ =	shalt  }
0x5f: {  	_ =	shalt  }
0x60: {  	_ =	shalt  }
0x61: {  	_ =	shalt  }
0x62: {  	_ =	shalt  }
0x63: {  	_ =	shalt  }
0x64: {  	_ =	shalt  }
0x65: {  	_ =	shalt  }
0x66: {  	_ =	shalt  }
0x67: {  	_ =	shalt  }
0x68: {  	_ =	shalt  }
0x69: {  	_ =	shalt  }
0x6a: {  	_ =	shalt  }
0x6b: {  	_ =	shalt  }
0x6c: {  	_ =	shalt  }
0x6d: {  	_ =	shalt  }
0x6e: {  	_ =	shalt  }
0x6f: {  	_ =	shalt  }
0x70: {  	_ =	shalt  }
0x71: {  	_ =	shalt  }
0x72: {  	_ =	shalt  }
0x73: {  	_ =	shalt  }
0x74: {  	_ =	shalt  }
0x75: {  	_ =	shalt  }
0x76: {  	_ =	shalt  }
0x77: {  	_ =	shalt  }
0x78: {  	_ =	shalt  }
0x79: {  	_ =	shalt  }
0x7a: {  	_ =	shalt  }
0x7b: {  	_ =	shalt  }
0x7c: {  	_ =	shalt  }
0x7d: {  	_ =	shalt  }
0x7e: {  	_ =	shalt  }
0x7f: {  	_ =	shalt  }
0x80: {  	_ =	shalt  }
0x81: {  	_ =	shalt  }
0x82: {  	_ =	shalt  }
0x83: {  	_ =	shalt  }
0x84: {  	_ =	shalt  }
0x85: {  	_ =	shalt  }
0x86: {  	_ =	shalt  }
0x87: {  	_ =	shalt  }
.Lfunc_end0:
.L_simem_size_0:
called_computation.2_lowered:
.L_overlay_start_0:
0x88: {  	s2 =	sld [smem:$0x3FD9]  }
0x89: {  	s3 =	sld [smem:$0x3FFE];
	_ =	sdelay $0x1  }
0x8a: {  	s1 =	srdreg.scid  }
0x8b: {  	s0 =	sand.u32 $0x1, s1  }
0x8c: {  	s17 =	sshll.u32 s0, $0xA;
	s2 =	sadd.s32 s3, s2  }
0x8d: {  	s2 =	sadd.s32 s2, s17  }
0x8e: {  	[smem:$0x3FC2] =	sst s2  }
0x8f: {  	_ = 	snop  }
0x90: {  	s2 =	sld [smem:$0x3FD0];
	(tm) =	ssettm $0x1  }
0x91: {  	s18 =	sld [smem:$0x3FFB];
	_ =	sdelay $0x3  }
0x92: {  	_ =	strace s18  }
0x93: {  	s3 =	sld [smem:$0x3FFC];
	_ =	sdelay $0x3  }
0x94: {  	_ =	strace s3  }
0x95: {  	s3 =	sld [smem:$0x3FFD];
	_ =	sdelay $0x3  }
0x96: {  	_ =	strace s3  }
0x97: {  	_ =	strace $0x8FFFFFFF  }
0x98: {  	s19 =	sld [smem:$0x3FDB];
	_ =	sdelay $0x1  }
0x99: {  	s4 =	simm.s32 $_scs_section_size  }
0x9a: {  	s5 =	simm.s32 $_size__tile_overlayer_lowered;
	s6 =	simm.s32 $_tile_overlayer_lowered  }
0x9b: {  	s22 =	simm.s32 $0x1BFF;
	s21 =	sshll.u32 s6, $0x1;
	s3 =	sadd.s32 s4, s19  }
0x9c: {  	s7 =	simm.s32 $0x0;
	s20 =	sshll.u32 s5, $0x1;
	s5 =	sadd.s32 s21, s3  }
0x9d: {  	[timem:s7], [sflag:s22] =	dma.local [hbm:s5], s20  }
0x9e: {  	_ =	swait.ge [sflag:s22], s20  }
0x9f: {  	s4 =	ssub.s32 $0x0, s20;
	[sflag:s22] =	ssyncset.done $0x0  }
0xa0: {  	[sflag:s22] =	ssyncadd.s32 s4;
	_ =	sdelay $0x1  }
0xa1: {  	s23 =	simm.s32 $0x1B8B  }
0xa2: {  	_ =	swait.ge [sflag:s23], $0x1  }
0xa3: {  	[sflag:s23] =	ssyncset.done $0x0  }
0xa4: {  	s25 =	simm.s32 $0x1B8E;
	s24 =	sld [smem:$0x3FFE];
	[sflag:s23] =	ssyncadd.s32 $0xFFFFFFFF  }
0xa5: {  	s26 =	simm.s32 $execute0_lowered;
	[smem:$0x3FD2] =	sst s25  }
0xa6: {  	s5 =	sshll.u32 s26, $0x1;
	_ =	strace $0x8000004C;
	[dreg:$0x1] =	wrdreg $0xFFFFFFFF  }
0xa7: {  	s28 =	simm.s32 $_size_execute0_lowered;
	s3 =	sadd.s32 s3, s5;
	[dreg:$0x0] =	wrdreg $0x0  }
0xa8: {  	s5 =	sshll.u32 s28, $0x1;
	[dreg:$0x2] =	wrdreg s3  }
0xa9: {  	[dreg:$0x3] =	wrdreg s5  }
0xaa: {  	[dreg:$0x4] =	wrdreg $0xC0  }
0xab: {  	_ =	task [dreg:s7], $0x5FFFF  }
0xac: {  	[dreg:$0x1] =	wrdreg $0xFFFFFFFF  }
0xad: {  	[dreg:$0x0] =	wrdreg $0x60  }
0xae: {  	[dreg:$0x2] =	wrdreg s24  }
0xaf: {  	[dreg:$0x3] =	wrdreg s2  }
0xb0: {  	[dreg:$0x4] =	wrdreg $0xB0000  }
0xb1: {  	[dreg:$0x5] =	wrdreg $0x9  }
0xb2: {  	_ =	task.clear_ibuf [dreg:s7], $0x6FFFF;
	_ =	strace $0x9000004C  }
0xb3: {  	s29 =	simm.s32 $0x9;
	_ =	strace $0x8000004E  }
0xb4: {  	_ =	swait.ge [sflag:s29], $0x1  }
0xb5: {  	[sflag:s29] =	ssyncadd.s32 $0xFFFFFFFF  }
0xb6: {  	_ =	strace $0x9000004E  }
0xb7: {  	_ =	sfence  }
0xb8: {  	s30 =	sld [smem:$0x0];
	_ =	sdelay $0x2  }
0xb9: {  	s31 =	sshll.u32 s1, $0xD;
	s1 =	sshrl.u32 s1, $0x2  }
0xba: {  	s3 =	sand.u32 $0x4000, s31;
	s1 =	sadd.s32 s1, s30  }
0xbb: {  	s0 =	sor.u32 s3, s0;
	s1 =	sshll.u32 s1, $0x11  }
0xbc: {  	s0 =	sor.u32 s1, s0  }
0xbd: {  	s0 =	sadd.s32 $0x8F2B, s0  }
0xbe: {  	[sflag:s0] =	ssyncadd.remote.s32 $0x1  }
0xbf: {  	_ =	sfence.sel $0xFFFF  }
0xc0: {  	[dreg:$0x0] =	wrdreg $0xFFFFFFFF;
	(pc) =	sbr.abs _section_cstart, $3  }
0xc1: {  	[dreg:$0x1] =	wrdreg $0xFFFFFFFF  }
0xc2: {  	_ =	task.clear_ibuf [dreg:s7], $0x2FFFF;
	_ =	strace $0x9FFFFFFF  }
0xc3: {  	(tm) =	ssettm $0x7FFFFFFF  }
tec
execute0_lowered:
.L_overlay_start_1:
0x0: {  	(tag) =	ssettag $0x1  }
0x1: {  	s5 =	rddreg [dreg:$0x0]  }
0x2: {  	s7 =	rddreg [dreg:$0x1]  }
0x3: {  	s1 =	rddreg [dreg:$0x2]  }
0x4: {  	s0 =	rddreg [dreg:$0x3];
	s2 =	simm.s32 $0x0  }
0x5: {  	s3 =	srdreg.scid;
	s13 =	simm.s32 $0x50;
	s14 =	simm.s32 $0x8000  }
0x6: {  	[smem:$0x7FF] =	sst s2;
	s6 =	sand.u32 $0x1, s3;
	s3 =	stileid.u32  }
0x7: {  	s4 =	sadd.s32 $0x2000, s5;
	_ =	strace $0x8000004D;
	s8 =	smul.u32 $0x140000, s6  }
0x8: {  	s9 =	sshll.u32 s3, $0xC;
	s10 =	sshll.u32 s6, $0xB;
	s11 =	smul.u32 $0x14000, s3  }
0x9: {  	s30 =	smul.u32 $0x50000, s3;
	s6 =	ssub.s32 $0x2, s6;
	s15 =	sshll.u32 s3, $0x6  }
0xa: {  	s9 =	sor.u32 s10, s9;
	s31 =	sshrl.u32 s6, $0x1;
	s15 =	sor.u32 $0x1C01, s15  }
0xb: {  	s12 =	sadd.s32 s9, s5;
	s8 =	sadd.s32 s11, s8;
	s10 =	sshrl.u32 s30, $0x2  }
0xc: {  	s11 =	ssub.s32 s6, s31;
	s7 =	sadd.s32 s7, s9;
	s8 =	sshrl.u32 s8, $0x3  }
0xd: {  	s6 =	sadd.s32 $0x52000, s12;
	s9 =	smax.u32 s11, $0x1;
	s11 =	simm.s32 $0x1  }
0xe: {  	s12 =	simm.s32 $0x4000;
	s8 =	sadd.s32 s8, s5;
	s5 =	sadd.s32 s10, s1  }
0xf: {  	v0 =	vimm.f32 $0.0e+00;
	s10 =	simm.s32 $0xA800;
	s8 =	sadd.s32 $0x62000, s8;
	s16 =	sshrl.u32 s5, $0x3  }
.LBB2_1:
0x10: {  	s17 =	simm.s32 $0x0;
	s18 =	simm.s32 $0x200  }
.LBB2_2:
0x11: {  	p0 =	sne.s32 s18, $0x1E00;
	[tilespmem:s17+$0xA870] =	vst v0  }
0x12: {  	[tilespmem:s17+$0xA800] =	vst v0  }
0x13: {  	[tilespmem:s17+$0xA810] =	vst v0  }
.Ltmp0:
0x14: {  	[tilespmem:s17+$0xA820] =	vst v0;
	(pc) =	sbr.rel @p0 .LBB2_2-.Ltmp0, $4  }
0x15: {  	[tilespmem:s17+$0xA830] =	vst v0  }
0x16: {  	[tilespmem:s17+$0xA840] =	vst v0  }
0x17: {  	[tilespmem:s17+$0xA850] =	vst v0  }
0x18: {  	[tilespmem:s17+$0xA860] =	vst v0;
	s17 =	sshra.s32 s18, $0x2;
	s18 =	sadd.s32 $0x200, s18  }
0x19: {  	[tilespmem:s17+$0xA870] =	vst v0  }
0x1a: {  	[tilespmem:s17+$0xA800] =	vst v0  }
0x1b: {  	[tilespmem:s17+$0xA810] =	vst v0  }
0x1c: {  	[tilespmem:s17+$0xA820] =	vst v0  }
0x1d: {  	[tilespmem:s17+$0xA830] =	vst v0  }
0x1e: {  	[tilespmem:s17+$0xA840] =	vst v0  }
0x1f: {  	[tilespmem:s17+$0xA850] =	vst v0  }
0x20: {  	[tilespmem:s17+$0xA860] =	vst v0;
	s31 =	sadd.s32 $0x0, s5  }
0x21: {  	[spmem:s31] =	stream.linear.scatter [tilespmem:s10], [sflag:$0x1], $0x800, $0x38;
	[tilespmem:$0x1F000] =	vst v63  }
0x22: {  	s17 =	simm.s32 $0x2000;
	_ =	swait.ge [sflag:s11], $0x800  }
.LBB2_4:
0x23: {  	s18 =	sshra.s32 s17, $0x2;
	[sflag:s11] =	ssyncset.done $0x0;
	p0 =	sne.s32 s17, $0x4E000  }
.Ltmp1:
0x24: {  	s18 =	sadd.s32 s18, s5;
	[sflag:s11] =	ssyncadd.s32 $0xFFFFF800;
	(pc) =	sbr.rel @p0 .LBB2_4-.Ltmp1, $3  }
0x25: {  	[spmem:s18] =	stream.linear.scatter [tilespmem:s10], [sflag:$0x1], $0x800, $0x38;
	[tilespmem:$0x1F000] =	vst v63  }
0x26: {  	s17 =	sadd.s32 $0x2000, s17;
	_ =	sdelay $0x1  }
0x27: {  	_ =	swait.ge [sflag:s11], $0x800  }
0x28: {  	[sflag:s11] =	ssyncset.done $0x0  }
0x29: {  	[sflag:s11] =	ssyncadd.s32 $0xFFFFF800  }
0x2a: {  	s17 =	simm.s32 $0x0;
	[bflag:$0x0] =	sbarrier.arrive $0xFFFF  }
0x2b: {  	[tilespmem:s17], [sflag:$0x1] =	stream.linear.gather [hbm4b:s6+s17], $0x3E80, $0x38;
	[tilespmem:$0x1F000] =	vst v63  }
0x2c: {  	_ =	swait.ge [sflag:s11], $0x3E80  }
0x2d: {  	[sflag:s11] =	ssyncset.done $0x0  }
0x2e: {  	[sflag:s11] =	ssyncadd.s32 $0xFFFFC180  }
0x2f: {  	[tilespmem:s12], [sflag:$0x1] =	stream.linear.gather [hbm4b:s7+s17], $0x3E80, $0x38;
	[tilespmem:$0x1F000] =	vst v63  }
0x30: {  	_ =	swait.ge [sflag:s11], $0x3E80  }
0x31: {  	[sflag:s11] =	ssyncset.done $0x0  }
0x32: {  	s30 =	simm.s32 $0x0;
	[sflag:s11] =	ssyncadd.s32 $0xFFFFC180  }
0x33: {  	[tilespmem:s14], [sflag:$0x1] =	stream.indirect.gather [hbm4b:s4+s13], $0x80, s30, s13, $0xb8;
	[tilespmem:$0x1F000] =	vst v63  }
0x34: {  	_ =	swait.ge [sflag:s11], $0x2800  }
0x35: {  	[sflag:s11] =	ssyncset.done $0x0  }
0x36: {  	s31 =	simm.s32 $0x4000;
	[sflag:s11] =	ssyncadd.s32 $0xFFFFD800  }
0x37: {  	[spmem:s1] =	stream.indirect.scatter.add.f32 [tilespmem:s14], [sflag:$0x1], $0x80, s31, s13, $0xb8;
	[tilespmem:$0x1F000] =	vst v63  }
0x38: {  	_ =	swait.ge [sflag:s11], $0x2800  }
0x39: {  	s18 =	simm.s32 $0x400;
	s17 =	simm.s32 $0x200;
	[sflag:s11] =	ssyncset.done $0x0  }
.LBB2_6:
0x3a: {  	s19 =	sshra.s32 s17, $0x2  }
0x3b: {  	[sflag:s11] =	ssyncadd.s32 $0xFFFFD800;
	s17 =	smov.u32 s18;
	s20 =	sadd.s32 $0x200, s18  }
0x3c: {  	[tilespmem:s14], [sflag:$0x1] =	stream.indirect.gather [hbm4b:s4+s13], $0x80, s19, s13, $0xb8;
	[tilespmem:$0x1F000] =	vst v63  }
0x3d: {  	p0 =	sne.s32 s18, $0xF800;
	_ =	swait.ge [sflag:s11], $0x2800  }
.Ltmp2:
0x3e: {  	[sflag:s11] =	ssyncset.done $0x0;
	(pc) =	sbr.rel @p0 .LBB2_6-.Ltmp2, $4  }
0x3f: {  	s18 =	sadd.s32 $0x4000, s19;
	[sflag:s11] =	ssyncadd.s32 $0xFFFFD800  }
0x40: {  	[spmem:s1] =	stream.indirect.scatter.add.f32 [tilespmem:s14], [sflag:$0x1], $0x80, s18, s13, $0xb8;
	[tilespmem:$0x1F000] =	vst v63  }
0x41: {  	_ =	swait.ge [sflag:s11], $0x2800  }
0x42: {  	s18 =	smov.u32 s20;
	[sflag:s11] =	ssyncset.done $0x0  }
0x43: {  	s17 =	sshra.s32 s17, $0x2;
	[sflag:s11] =	ssyncadd.s32 $0xFFFFD800  }
0x44: {  	[tilespmem:s14], [sflag:$0x1] =	stream.indirect.gather [hbm4b:s4+s13], $0x80, s17, s13, $0xb8;
	[tilespmem:$0x1F000] =	vst v63  }
0x45: {  	_ =	swait.ge [sflag:s11], $0x2800  }
0x46: {  	[sflag:s11] =	ssyncset.done $0x0  }
0x47: {  	s17 =	sadd.s32 $0x4000, s17;
	[sflag:s11] =	ssyncadd.s32 $0xFFFFD800  }
0x48: {  	[spmem:s1] =	stream.indirect.scatter.add.f32 [tilespmem:s14], [sflag:$0x1], $0x80, s17, s13, $0xb8;
	[tilespmem:$0x1F000] =	vst v63  }
0x49: {  	_ =	swait.ge [sflag:s11], $0x2800  }
0x4a: {  	s2 =	sadd.s32 $0x1, s2;
	[sflag:s11] =	ssyncset.done $0x0  }
0x4b: {  	p0 =	sne.s32 s2, s9;
	[sflag:s11] =	ssyncadd.s32 $0xFFFFD800  }
.Ltmp3:
0x4c: {  	[bflag:$0x0] =	sbarrier.arrive $0xFFFF;
	(pc) =	sbr.rel @p0 .LBB2_1-.Ltmp3, $4  }
0x4d: {  	[hbm:s8], [sflag:s15] =	dma.local [spmem:s16], $0x2800  }
0x4e: {  	_ =	swait.ge [sflag:s11], $0x2800  }
0x4f: {  	[sflag:s11] =	ssyncset.done $0x0  }
0x50: {  	[sflag:s11] =	ssyncadd.s32 $0xFFFFD800  }
0x51: {  	_ =	sfence.sel $0x180000  }
0x52: {  	[bflag:$0x0] =	sbarrier.arrive $0xFFFF  }
0x53: {  	p0 =	sne.s32 s3, $0x0;
	_ =	strace $0x9000004D  }
0x54: {  	s0 =	sadd.s32 @!p0 $0x100000, s0;
	[bflag:$0x2] =	sbarrier.arrive $0xFFFF  }
0x55: {  	[sflag:s0] =	ssyncadd.tile.s32 @!p0 $0x1;
	_ =	shalt  }
.Lfunc_end2:
_tile_overlayer_lowered:
.L_overlay_start_2:
0x56: {  	(tag) =	ssettag $0x2  }
0x57: {  	s0 =	rddreg [dreg:$0x0];
	s2 =	stileid.u32  }
0x58: {  	s1 =	rddreg [dreg:$0x1];
	p0 =	sne.s32 s2, $0x0  }
0x59: {  	s3 =	rddreg [dreg:$0x2];
	[bflag:$0x3] =	sbarrier.arrive $0xFFFF;
	s2 =	simm.s32 @!p0 $0x1C01  }
0x5a: {  	[timem:s3], [sflag:s2] =	dma.local @!p0 [hbm:s0], s1  }
0x5b: {  	s0 =	simm.s32 @!p0 $0x1  }
0x5c: {  	_ =	swait.ge @!p0 [sflag:s0], s1  }
0x5d: {  	s1 =	ssub.s32 @!p0 $0x0, s1;
	[sflag:s0] =	ssyncset.done @!p0 $0x0  }
0x5e: {  	[sflag:s0] =	ssyncadd.s32 @!p0 s1  }
0x5f: {  	[bflag:$0x3] =	sbarrier.arrive $0xFFFF  }
0x60: {  	_ =	shalt  }

// kernel: kernel.8.cloned.1.call-start
scs
__scs_entry_jumppad:
0x0: {  	(pc) =	sbr.rel $0x88, $3  }
0x1: {  	(tag) =	ssettag $0x0;
	lr =	simm.s32 $0x1  }
0x2: {  	[smem:$0x3F9B] =	sst lr;
	_ =	strace $0xD0000000  }
0x3: {  	_ = 	snop  }
0x4: {  	_ = 	snop  }
0x5: {  	_ = 	snop  }
0x6: {  	_ = 	snop  }
0x7: {  	_ = 	snop  }
__scs_overlays_trampoline_lowered:
0x8: {  	[smem:$0x3FAA] =	sst s0  }
0x9: {  	[smem:$0x3FAB] =	sst s1  }
0xa: {  	[smem:$0x3FAC] =	sst s2  }
0xb: {  	[smem:$0x3FAD] =	sst s3  }
0xc: {  	[smem:$0x3FAE] =	sst s4  }
0xd: {  	[smem:$0x3FAF] =	sst s5  }
0xe: {  	[smem:$0x3FB0] =	sst s6  }
0xf: {  	[smem:$0x3FB1] =	sst s7  }
0x10: {  	[smem:$0x3FB2] =	sst s8  }
0x11: {  	[smem:$0x3FB3] =	sst s9;
	s0 =	simm.s32 @!p0 $0x0  }
0x12: {  	s1 =	sld [smem:$0x3F99];
	s0 =	simm.s32 @p0 $0x1  }
0x13: {  	[smem:$0x3FB4] =	sst s0;
	s0 =	simm.s32 @!p1 $0x0  }
0x14: {  	s2 =	sld [smem:$0x3F98];
	s0 =	simm.s32 @p1 $0x1  }
0x15: {  	[smem:$0x3FB5] =	sst s0;
	s0 =	simm.s32 @!p2 $0x0  }
0x16: {  	s3 =	sld [smem:$0x3FDB];
	s0 =	simm.s32 @p2 $0x1  }
0x17: {  	s4 =	simm.s32 $0x1BF5;
	[smem:$0x3FB7] =	sst s0  }
0x18: {  	s0 =	sld [smem:$0x3F9A];
	_ =	swait.ge [sflag:s4], $0x0  }
0x19: {  	s7 =	sld [smem:$0x3F9B]  }
0x1a: {  	s8 =	sadd.s32 $0xFFFFE003, lr  }
0x1b: {  	s9 =	sadd.s32 $0xFFFFFEF7, lr;
	s5 =	simm.s32 $0xFFFFFFFF;
	p2 =	slt.u32 s8, $0xFFFFF086  }
0x1c: {  	p1 =	slt.u32 s9, $0xF7A;
	s5 =	simm.s32 @!p2 $0x0  }
0x1d: {  	s5 =	simm.s32 @p1 $0x1;
	p0 =	seq.s32 s7, s2  }
0x1e: {  	s7 =	smul.u32 @!p0 $0xF7A, s2;
	p2 =	seq.s32 @!p0 s5, $0x0  }
0x1f: {  	s9 =	smul.u32 $0xF7A, s1;
	s8 =	simm.s32 @!p0 $0x1BF5;
	p2 =	por !p2, p0  }
0x20: {  	[sflag:s8] =	ssyncset.s32 @!p0 $0xFFFFF086;
	s6 =	sadd.s32 @!p0 s3, s7;
	s7 =	simm.s32 @!p0 $0x108  }
0x21: {  	s3 =	sadd.s32 s3, s9;
	s6 =	sadd.s32 @!p0 $0x88, s6;
	s7 =	simm.s32 @p2 $0x1082  }
0x22: {  	[simem:s7], [sflag:s8] =	dma.local @!p0 [hbm:s6], $0xF7A  }
0x23: {  	s9 =	sor.u32 $0xD0000000, s2;
	s6 =	simm.s32 $0x108;
	_ =	swait.ge @!p0 [sflag:s8], $0x0  }
0x24: {  	s3 =	sadd.s32 $0x88, s3;
	s6 =	simm.s32 @!p1 $0x1082;
	[sflag:s4] =	ssyncset.s32 $0xFFFFF086  }
0x25: {  	[simem:s6], [sflag:s4] =	dma.local [hbm:s3], $0xF7A  }
0x26: {  	[smem:$0x3F9B] =	sst s1;
	(tag) =	ssettag s2;
	_ =	strace s9  }
0x27: {  	s1 =	sld [smem:$0x3FAB]  }
0x28: {  	s2 =	sld [smem:$0x3FAC]  }
0x29: {  	s4 =	sld [smem:$0x3FAE]  }
0x2a: {  	p0 =	seq.s32 s5, $0x0;
	s5 =	sld [smem:$0x3FAF]  }
0x2b: {  	s6 =	sld [smem:$0x3FB0]  }
0x2c: {  	s7 =	sld [smem:$0x3FB1]  }
0x2d: {  	s3 =	simm.s32 $0x108;
	s8 =	sld [smem:$0x3FB2]  }
0x2e: {  	s3 =	simm.s32 @!p0 $0x1082;
	s9 =	sld [smem:$0x3FB3]  }
0x2f: {  	lr =	sadd.s32 s0, s3;
	s0 =	sld [smem:$0x3FAA]  }
0x30: {  	s3 =	sld [smem:$0x3FAD]  }
0x31: {  	[smem:$0x3FB6] =	sst s10  }
0x32: {  	s10 =	sld [smem:$0x3FB4];
	_ =	sdelay $0x3  }
0x33: {  	p0 =	seq.s32 s10, $0x1;
	s10 =	sld [smem:$0x3FB6];
	_ =	sdelay $0x3  }
0x34: {  	[smem:$0x3FB6] =	sst s10  }
0x35: {  	s10 =	sld [smem:$0x3FB5];
	_ =	sdelay $0x3  }
0x36: {  	p1 =	seq.s32 s10, $0x1;
	s10 =	sld [smem:$0x3FB6];
	_ =	sdelay $0x3  }
0x37: {  	[smem:$0x3FB6] =	sst s10  }
0x38: {  	s10 =	sld [smem:$0x3FB7]  }
0x39: {  	_ = 	snop;
	(pc) =	sbr.ind lr, $3  }
0x3a: {  	_ = 	snop  }
0x3b: {  	_ = 	snop  }
0x3c: {  	p2 =	seq.s32 s10, $0x1;
	s10 =	sld [smem:$0x3FB6]  }
0x3d: {  	_ =	shalt  }
0x3e: {  	_ =	shalt  }
0x3f: {  	_ =	shalt  }
0x40: {  	_ =	shalt  }
0x41: {  	_ =	shalt  }
0x42: {  	_ =	shalt  }
0x43: {  	_ =	shalt  }
0x44: {  	_ =	shalt  }
0x45: {  	_ =	shalt  }
0x46: {  	_ =	shalt  }
0x47: {  	_ =	shalt  }
0x48: {  	_ =	shalt  }
0x49: {  	_ =	shalt  }
0x4a: {  	_ =	shalt  }
0x4b: {  	_ =	shalt  }
0x4c: {  	_ =	shalt  }
0x4d: {  	_ =	shalt  }
0x4e: {  	_ =	shalt  }
0x4f: {  	_ =	shalt  }
0x50: {  	_ =	shalt  }
0x51: {  	_ =	shalt  }
0x52: {  	_ =	shalt  }
0x53: {  	_ =	shalt  }
0x54: {  	_ =	shalt  }
0x55: {  	_ =	shalt  }
0x56: {  	_ =	shalt  }
0x57: {  	_ =	shalt  }
0x58: {  	_ =	shalt  }
0x59: {  	_ =	shalt  }
0x5a: {  	_ =	shalt  }
0x5b: {  	_ =	shalt  }
0x5c: {  	_ =	shalt  }
0x5d: {  	_ =	shalt  }
0x5e: {  	_ =	shalt  }
0x5f: {  	_ =	shalt  }
0x60: {  	_ =	shalt  }
0x61: {  	_ =	shalt  }
0x62: {  	_ =	shalt  }
0x63: {  	_ =	shalt  }
0x64: {  	_ =	shalt  }
0x65: {  	_ =	shalt  }
0x66: {  	_ =	shalt  }
0x67: {  	_ =	shalt  }
0x68: {  	_ =	shalt  }
0x69: {  	_ =	shalt  }
0x6a: {  	_ =	shalt  }
0x6b: {  	_ =	shalt  }
0x6c: {  	_ =	shalt  }
0x6d: {  	_ =	shalt  }
0x6e: {  	_ =	shalt  }
0x6f: {  	_ =	shalt  }
0x70: {  	_ =	shalt  }
0x71: {  	_ =	shalt  }
0x72: {  	_ =	shalt  }
0x73: {  	_ =	shalt  }
0x74: {  	_ =	shalt  }
0x75: {  	_ =	shalt  }
0x76: {  	_ =	shalt  }
0x77: {  	_ =	shalt  }
0x78: {  	_ =	shalt  }
0x79: {  	_ =	shalt  }
0x7a: {  	_ =	shalt  }
0x7b: {  	_ =	shalt  }
0x7c: {  	_ =	shalt  }
0x7d: {  	_ =	shalt  }
0x7e: {  	_ =	shalt  }
0x7f: {  	_ =	shalt  }
0x80: {  	_ =	shalt  }
0x81: {  	_ =	shalt  }
0x82: {  	_ =	shalt  }
0x83: {  	_ =	shalt  }
0x84: {  	_ =	shalt  }
0x85: {  	_ =	shalt  }
0x86: {  	_ =	shalt  }
0x87: {  	_ =	shalt  }
.Lfunc_end0:
.L_simem_size_0:
called_computation_lowered:
.L_overlay_start_0:
0x88: {  	s2 =	sld [smem:$0x3FD9]  }
0x89: {  	s3 =	sld [smem:$0x3FFE];
	_ =	sdelay $0x1  }
0x8a: {  	s1 =	srdreg.scid  }
0x8b: {  	s0 =	sand.u32 $0x1, s1  }
0x8c: {  	s17 =	sshll.u32 s0, $0xA;
	s2 =	sadd.s32 s3, s2  }
0x8d: {  	s2 =	sadd.s32 s2, s17  }
0x8e: {  	[smem:$0x3FC2] =	sst s2  }
0x8f: {  	_ = 	snop  }
0x90: {  	s2 =	sld [smem:$0x3FD0];
	(tm) =	ssettm $0x1  }
0x91: {  	s18 =	sld [smem:$0x3FFB];
	_ =	sdelay $0x3  }
0x92: {  	_ =	strace s18  }
0x93: {  	s3 =	sld [smem:$0x3FFC];
	_ =	sdelay $0x3  }
0x94: {  	_ =	strace s3  }
0x95: {  	s3 =	sld [smem:$0x3FFD];
	_ =	sdelay $0x3  }
0x96: {  	_ =	strace s3  }
0x97: {  	_ =	strace $0x8FFFFFFF  }
0x98: {  	s19 =	sld [smem:$0x3FDB];
	_ =	sdelay $0x1  }
0x99: {  	s4 =	simm.s32 $_scs_section_size  }
0x9a: {  	s5 =	simm.s32 $_size__tile_overlayer_lowered;
	s6 =	simm.s32 $_tile_overlayer_lowered  }
0x9b: {  	s22 =	simm.s32 $0x1BFF;
	s21 =	sshll.u32 s6, $0x1;
	s3 =	sadd.s32 s4, s19  }
0x9c: {  	s7 =	simm.s32 $0x0;
	s20 =	sshll.u32 s5, $0x1;
	s5 =	sadd.s32 s21, s3  }
0x9d: {  	[timem:s7], [sflag:s22] =	dma.local [hbm:s5], s20  }
0x9e: {  	_ =	swait.ge [sflag:s22], s20  }
0x9f: {  	s4 =	ssub.s32 $0x0, s20;
	[sflag:s22] =	ssyncset.done $0x0  }
0xa0: {  	[sflag:s22] =	ssyncadd.s32 s4;
	_ =	sdelay $0x1  }
0xa1: {  	s23 =	simm.s32 $0x1B8B  }
0xa2: {  	_ =	swait.ge [sflag:s23], $0x1  }
0xa3: {  	[sflag:s23] =	ssyncset.done $0x0  }
0xa4: {  	s25 =	simm.s32 $0x1B8E;
	s24 =	sld [smem:$0x3FFE];
	[sflag:s23] =	ssyncadd.s32 $0xFFFFFFFF  }
0xa5: {  	s26 =	simm.s32 $execute0_lowered;
	[smem:$0x3FD2] =	sst s25  }
0xa6: {  	s5 =	sshll.u32 s26, $0x1;
	_ =	strace $0x80000046;
	[dreg:$0x1] =	wrdreg $0xFFFFFFFF  }
0xa7: {  	s28 =	simm.s32 $_size_execute0_lowered;
	s3 =	sadd.s32 s3, s5;
	[dreg:$0x0] =	wrdreg $0x0  }
0xa8: {  	s5 =	sshll.u32 s28, $0x1;
	[dreg:$0x2] =	wrdreg s3  }
0xa9: {  	[dreg:$0x3] =	wrdreg s5  }
0xaa: {  	[dreg:$0x4] =	wrdreg $0xC0  }
0xab: {  	_ =	task [dreg:s7], $0x5FFFF  }
0xac: {  	[dreg:$0x1] =	wrdreg $0xFFFFFFFF  }
0xad: {  	[dreg:$0x0] =	wrdreg $0x60  }
0xae: {  	[dreg:$0x2] =	wrdreg s2  }
0xaf: {  	[dreg:$0x3] =	wrdreg s24  }
0xb0: {  	[dreg:$0x4] =	wrdreg $0x70000  }
0xb1: {  	[dreg:$0x5] =	wrdreg $0x9  }
0xb2: {  	_ =	task.clear_ibuf [dreg:s7], $0x6FFFF;
	_ =	strace $0x90000046  }
0xb3: {  	s29 =	simm.s32 $0x9;
	_ =	strace $0x80000048  }
0xb4: {  	_ =	swait.ge [sflag:s29], $0x1  }
0xb5: {  	[sflag:s29] =	ssyncadd.s32 $0xFFFFFFFF  }
0xb6: {  	_ =	strace $0x90000048  }
0xb7: {  	_ =	sfence  }
0xb8: {  	s30 =	sld [smem:$0x0];
	_ =	sdelay $0x2  }
0xb9: {  	s31 =	sshll.u32 s1, $0xD;
	s1 =	sshrl.u32 s1, $0x2  }
0xba: {  	s3 =	sand.u32 $0x4000, s31;
	s1 =	sadd.s32 s1, s30  }
0xbb: {  	s0 =	sor.u32 s3, s0;
	s1 =	sshll.u32 s1, $0x11  }
0xbc: {  	s0 =	sor.u32 s1, s0  }
0xbd: {  	s0 =	sadd.s32 $0x8F2B, s0  }
0xbe: {  	[sflag:s0] =	ssyncadd.remote.s32 $0x1  }
0xbf: {  	_ =	sfence.sel $0xFFFF  }
0xc0: {  	[dreg:$0x0] =	wrdreg $0xFFFFFFFF;
	(pc) =	sbr.abs _section_cstart, $3  }
0xc1: {  	[dreg:$0x1] =	wrdreg $0xFFFFFFFF  }
0xc2: {  	_ =	task.clear_ibuf [dreg:s7], $0x2FFFF;
	_ =	strace $0x9FFFFFFF  }
0xc3: {  	(tm) =	ssettm $0x7FFFFFFF  }
tec
execute0_lowered:
.L_overlay_start_1:
0x0: {  	(tag) =	ssettag $0x1  }
0x1: {  	s4 =	rddreg [dreg:$0x0]  }
0x2: {  	s5 =	rddreg [dreg:$0x1]  }
0x3: {  	s0 =	srdreg.scid;
	s2 =	rddreg [dreg:$0x2]  }
0x4: {  	s1 =	stileid.u32;
	s3 =	simm.s32 $0x0;
	s11 =	simm.s32 $0x4000  }
0x5: {  	s6 =	sand.u32 $0x1, s0;
	s0 =	rddreg [dreg:$0x3];
	s8 =	smul.u32 $0x14000, s1  }
0x6: {  	[smem:$0x7FF] =	sst s3;
	s9 =	smul.u32 $0x50000, s1;
	s10 =	sshll.u32 s1, $0xC  }
0x7: {  	s12 =	sshll.u32 s1, $0x6;
	s7 =	smul.u32 $0x140000, s6;
	_ =	strace $0x80000047  }
0x8: {  	s30 =	ssub.s32 $0x2, s6;
	s6 =	sshll.u32 s6, $0xB;
	s12 =	sor.u32 $0x1C01, s12  }
0x9: {  	s31 =	sshrl.u32 s30, $0x1;
	s9 =	sshrl.u32 s9, $0x2;
	s6 =	sadd.s32 s4, s6  }
0xa: {  	s7 =	sadd.s32 s8, s7;
	s8 =	ssub.s32 s30, s31;
	s4 =	sadd.s32 s9, s2  }
0xb: {  	s9 =	simm.s32 $0x1;
	s7 =	sshrl.u32 s7, $0x3;
	s13 =	sshrl.u32 s4, $0x3  }
0xc: {  	s7 =	sadd.s32 s7, s5;
	s5 =	sadd.s32 s10, s6;
	s10 =	simm.s32 $0x50  }
0xd: {  	v0 =	vimm.f32 $1.000000000e+00;
	v1 =	vimm.f32 $0.0e+00;
	s6 =	sadd.s32 $0x2000, s7;
	s7 =	smax.u32 s8, $0x1;
	s8 =	simm.s32 $0x6800  }
.LBB2_1:
0xe: {  	[tilespmem:$0x4000] =	vst v0  }
0xf: {  	[tilespmem:$0x4080] =	vst v0  }
0x10: {  	[tilespmem:$0x4100] =	vst v0  }
0x11: {  	[tilespmem:$0x4180] =	vst v0  }
0x12: {  	[tilespmem:$0x4200] =	vst v0  }
0x13: {  	[tilespmem:$0x4280] =	vst v0  }
0x14: {  	[tilespmem:$0x4300] =	vst v0  }
0x15: {  	[tilespmem:$0x4380] =	vst v0  }
0x16: {  	[tilespmem:$0x4400] =	vst v0  }
0x17: {  	[tilespmem:$0x4480] =	vst v0  }
0x18: {  	[tilespmem:$0x4500] =	vst v0  }
0x19: {  	[tilespmem:$0x4580] =	vst v0  }
0x1a: {  	[tilespmem:$0x4600] =	vst v0  }
0x1b: {  	[tilespmem:$0x4680] =	vst v0  }
0x1c: {  	[tilespmem:$0x4700] =	vst v0  }
0x1d: {  	[tilespmem:$0x4780] =	vst v0  }
0x1e: {  	[tilespmem:$0x4800] =	vst v0  }
0x1f: {  	[tilespmem:$0x4880] =	vst v0  }
0x20: {  	[tilespmem:$0x4900] =	vst v0  }
0x21: {  	[tilespmem:$0x4980] =	vst v0  }
0x22: {  	[tilespmem:$0x4A00] =	vst v0  }
0x23: {  	[tilespmem:$0x4A80] =	vst v0  }
0x24: {  	[tilespmem:$0x4B00] =	vst v0  }
0x25: {  	[tilespmem:$0x4B80] =	vst v0  }
0x26: {  	[tilespmem:$0x4C00] =	vst v0  }
0x27: {  	[tilespmem:$0x4C80] =	vst v0  }
0x28: {  	[tilespmem:$0x4D00] =	vst v0  }
0x29: {  	[tilespmem:$0x4D80] =	vst v0  }
0x2a: {  	[tilespmem:$0x4E00] =	vst v0  }
0x2b: {  	[tilespmem:$0x4E80] =	vst v0  }
0x2c: {  	[tilespmem:$0x4F00] =	vst v0  }
0x2d: {  	[tilespmem:$0x4F80] =	vst v0  }
0x2e: {  	[tilespmem:$0x5000] =	vst v0  }
0x2f: {  	[tilespmem:$0x5080] =	vst v0  }
0x30: {  	[tilespmem:$0x5100] =	vst v0  }
0x31: {  	[tilespmem:$0x5180] =	vst v0  }
0x32: {  	[tilespmem:$0x5200] =	vst v0  }
0x33: {  	[tilespmem:$0x5280] =	vst v0  }
0x34: {  	[tilespmem:$0x5300] =	vst v0  }
0x35: {  	[tilespmem:$0x5380] =	vst v0  }
0x36: {  	[tilespmem:$0x5400] =	vst v0  }
0x37: {  	[tilespmem:$0x5480] =	vst v0  }
0x38: {  	[tilespmem:$0x5500] =	vst v0  }
0x39: {  	[tilespmem:$0x5580] =	vst v0  }
0x3a: {  	[tilespmem:$0x5600] =	vst v0  }
0x3b: {  	[tilespmem:$0x5680] =	vst v0  }
0x3c: {  	[tilespmem:$0x5700] =	vst v0  }
0x3d: {  	[tilespmem:$0x5780] =	vst v0  }
0x3e: {  	[tilespmem:$0x5800] =	vst v0  }
0x3f: {  	[tilespmem:$0x5880] =	vst v0  }
0x40: {  	[tilespmem:$0x5900] =	vst v0  }
0x41: {  	[tilespmem:$0x5980] =	vst v0  }
0x42: {  	[tilespmem:$0x5A00] =	vst v0  }
0x43: {  	[tilespmem:$0x5A80] =	vst v0  }
0x44: {  	[tilespmem:$0x5B00] =	vst v0  }
0x45: {  	[tilespmem:$0x5B80] =	vst v0  }
0x46: {  	[tilespmem:$0x5C00] =	vst v0  }
0x47: {  	[tilespmem:$0x5C80] =	vst v0  }
0x48: {  	[tilespmem:$0x5D00] =	vst v0  }
0x49: {  	[tilespmem:$0x5D80] =	vst v0  }
0x4a: {  	[tilespmem:$0x5E00] =	vst v0  }
0x4b: {  	[tilespmem:$0x5E80] =	vst v0  }
0x4c: {  	[tilespmem:$0x5F00] =	vst v0  }
0x4d: {  	[tilespmem:$0x5F80] =	vst v0  }
0x4e: {  	[tilespmem:$0x6000] =	vst v0  }
0x4f: {  	[tilespmem:$0x6080] =	vst v0  }
0x50: {  	[tilespmem:$0x6100] =	vst v0  }
0x51: {  	[tilespmem:$0x6180] =	vst v0  }
0x52: {  	[tilespmem:$0x6200] =	vst v0  }
0x53: {  	[tilespmem:$0x6280] =	vst v0  }
0x54: {  	[tilespmem:$0x6300] =	vst v0  }
0x55: {  	[tilespmem:$0x6380] =	vst v0  }
0x56: {  	[tilespmem:$0x6400] =	vst v0  }
0x57: {  	[tilespmem:$0x6480] =	vst v0  }
0x58: {  	[tilespmem:$0x6500] =	vst v0  }
0x59: {  	[tilespmem:$0x6580] =	vst v0  }
0x5a: {  	[tilespmem:$0x6600] =	vst v0  }
0x5b: {  	[tilespmem:$0x6680] =	vst v0  }
0x5c: {  	[tilespmem:$0x6700] =	vst v0  }
0x5d: {  	[tilespmem:$0x6780] =	vst v0  }
0x5e: {  	[tilespmem:$0x6800] =	vst v1  }
0x5f: {  	[tilespmem:$0x6880] =	vst v1  }
0x60: {  	[tilespmem:$0x6900] =	vst v1  }
0x61: {  	[tilespmem:$0x6980] =	vst v1  }
0x62: {  	[tilespmem:$0x6A00] =	vst v1  }
0x63: {  	[tilespmem:$0x6A80] =	vst v1  }
0x64: {  	[tilespmem:$0x6B00] =	vst v1  }
0x65: {  	[tilespmem:$0x6B80] =	vst v1  }
0x66: {  	[tilespmem:$0x6C00] =	vst v1  }
0x67: {  	[tilespmem:$0x6C80] =	vst v1  }
0x68: {  	[tilespmem:$0x6D00] =	vst v1  }
0x69: {  	[tilespmem:$0x6D80] =	vst v1  }
0x6a: {  	[tilespmem:$0x6E00] =	vst v1  }
0x6b: {  	[tilespmem:$0x6E80] =	vst v1  }
0x6c: {  	[tilespmem:$0x6F00] =	vst v1  }
0x6d: {  	[tilespmem:$0x6F80] =	vst v1;
	s14 =	sadd.s32 $0x0, s4  }
0x6e: {  	[spmem:s14] =	stream.linear.scatter [tilespmem:s8], [sflag:$0x1], $0x800, $0x38;
	[tilespmem:$0x9800] =	vst v63  }
0x6f: {  	s14 =	simm.s32 $0x2000;
	_ =	swait.ge [sflag:s9], $0x800  }
.LBB2_2:
0x70: {  	s15 =	sshra.s32 s14, $0x2;
	[sflag:s9] =	ssyncset.done $0x0;
	p0 =	sne.s32 s14, $0x4E000  }
.Ltmp0:
0x71: {  	s15 =	sadd.s32 s15, s4;
	[sflag:s9] =	ssyncadd.s32 $0xFFFFF800;
	(pc) =	sbr.rel @p0 .LBB2_2-.Ltmp0, $3  }
0x72: {  	[spmem:s15] =	stream.linear.scatter [tilespmem:s8], [sflag:$0x1], $0x800, $0x38;
	[tilespmem:$0x9800] =	vst v63  }
0x73: {  	s14 =	sadd.s32 $0x2000, s14;
	_ =	sdelay $0x1  }
0x74: {  	_ =	swait.ge [sflag:s9], $0x800  }
0x75: {  	[sflag:s9] =	ssyncset.done $0x0  }
0x76: {  	[sflag:s9] =	ssyncadd.s32 $0xFFFFF800  }
0x77: {  	s14 =	simm.s32 $0x0;
	[bflag:$0x0] =	sbarrier.arrive $0xFFFF  }
0x78: {  	[tilespmem:s14], [sflag:$0x1] =	stream.linear.gather [hbm4b:s5+s14], $0x3E80, $0x38;
	[tilespmem:$0x9800] =	vst v63  }
0x79: {  	_ =	swait.ge [sflag:s9], $0x3E80  }
0x7a: {  	[sflag:s9] =	ssyncset.done $0x0  }
0x7b: {  	s31 =	simm.s32 $0x0;
	[sflag:s9] =	ssyncadd.s32 $0xFFFFC180  }
0x7c: {  	[spmem:s2] =	stream.indirect.scatter.add.f32 [tilespmem:s11], [sflag:$0x1], $0x10, s31, s10, $0xb8;
	[tilespmem:$0x9800] =	vst v63  }
0x7d: {  	_ =	swait.ge [sflag:s9], $0x500  }
0x7e: {  	s14 =	simm.s32 $0x200;
	[sflag:s9] =	ssyncset.done $0x0  }
.LBB2_4:
0x7f: {  	s15 =	sshra.s32 s14, $0x2;
	[sflag:s9] =	ssyncadd.s32 $0xFFFFFB00;
	p0 =	sne.s32 s14, $0xF800  }
0x80: {  	[spmem:s2] =	stream.indirect.scatter.add.f32 [tilespmem:s11], [sflag:$0x1], $0x10, s15, s10, $0xb8;
	[tilespmem:$0x9800] =	vst v63  }
.Ltmp1:
0x81: {  	_ = 	snop;
	(pc) =	sbr.rel @p0 .LBB2_4-.Ltmp1, $4  }
0x82: {  	_ = 	snop  }
0x83: {  	s14 =	sadd.s32 $0x200, s14  }
0x84: {  	_ =	swait.ge [sflag:s9], $0x500  }
0x85: {  	[sflag:s9] =	ssyncset.done $0x0  }
0x86: {  	s3 =	sadd.s32 $0x1, s3  }
0x87: {  	[sflag:s9] =	ssyncadd.s32 $0xFFFFFB00;
	p0 =	sne.s32 s3, s7  }
.Ltmp2:
0x88: {  	[bflag:$0x0] =	sbarrier.arrive $0xFFFF;
	(pc) =	sbr.rel @p0 .LBB2_1-.Ltmp2, $4  }
0x89: {  	[hbm:s6], [sflag:s12] =	dma.local [spmem:s13], $0x2800  }
0x8a: {  	_ =	swait.ge [sflag:s9], $0x2800  }
0x8b: {  	[sflag:s9] =	ssyncset.done $0x0  }
0x8c: {  	[sflag:s9] =	ssyncadd.s32 $0xFFFFD800  }
0x8d: {  	_ =	sfence.sel $0x180000  }
0x8e: {  	[bflag:$0x0] =	sbarrier.arrive $0xFFFF  }
0x8f: {  	p0 =	sne.s32 s1, $0x0;
	_ =	strace $0x90000047  }
0x90: {  	s0 =	sadd.s32 @!p0 $0x100000, s0;
	[bflag:$0x2] =	sbarrier.arrive $0xFFFF  }
0x91: {  	[sflag:s0] =	ssyncadd.tile.s32 @!p0 $0x1;
	_ =	shalt  }
.Lfunc_end2:
_tile_overlayer_lowered:
.L_overlay_start_2:
0x92: {  	(tag) =	ssettag $0x2  }
0x93: {  	s0 =	rddreg [dreg:$0x0];
	s2 =	stileid.u32  }
0x94: {  	s1 =	rddreg [dreg:$0x1];
	p0 =	sne.s32 s2, $0x0  }
0x95: {  	s3 =	rddreg [dreg:$0x2];
	[bflag:$0x3] =	sbarrier.arrive $0xFFFF;
	s2 =	simm.s32 @!p0 $0x1C01  }
0x96: {  	[timem:s3], [sflag:s2] =	dma.local @!p0 [hbm:s0], s1  }
0x97: {  	s0 =	simm.s32 @!p0 $0x1  }
0x98: {  	_ =	swait.ge @!p0 [sflag:s0], s1  }
0x99: {  	s1 =	ssub.s32 @!p0 $0x0, s1;
	[sflag:s0] =	ssyncset.done @!p0 $0x0  }
0x9a: {  	[sflag:s0] =	ssyncadd.s32 @!p0 s1  }
0x9b: {  	[bflag:$0x3] =	sbarrier.arrive $0xFFFF  }
0x9c: {  	_ =	shalt  }

</sc_bundles>
